<compile_context>
chip_gen: v7x
topology: tpu7x:2x2x1
jax: 0.10.2.dev20260603
libtpu: 0.0.44.dev20260713+nightly
codegen_flags: <defaults>
</compile_context>

<pallas_src>
import functools

import jax
import jax.numpy as jnp
from jax import lax
from jax.experimental import pallas as pl
from jax.experimental.pallas import tpu as pltpu
from jax.experimental.pallas import tpu_sc as plsc

_EMB = 64
_PAIR = 128
_BATCH = 16384
_B_TOT = 3 * _BATCH
_NC, _NS = 2, 16
_NW = _NC * _NS
_B_PER_W = _B_TOT // _NW
_HALF = _B_PER_W // 2
_NSEM = 8
_REG_W = 1e-5
_N_ROWS = 2_000_000
_TBLK = 16000


def _transpose_body(tt_ref, out_ref):
    t = tt_ref[...].T
    out_ref[:, 0:_EMB] = t[0 : _TBLK // 2]
    out_ref[:, _EMB:_PAIR] = t[_TBLK // 2 : _TBLK]


def _tc_transpose(table_t):
    return pl.pallas_call(
        _transpose_body,
        grid=(_N_ROWS // _TBLK,),
        in_specs=[pl.BlockSpec((_EMB, _TBLK), lambda i: (0, i))],
        out_specs=pl.BlockSpec((_TBLK // 2, _PAIR), lambda i: (i, 0)),
        out_shape=jax.ShapeDtypeStruct((_N_ROWS // 2, _PAIR), jnp.float32),
        compiler_params=pltpu.CompilerParams(
            dimension_semantics=("arbitrary",)
        ),
    )(table_t)


def _sc_gather(table2, pidx):
    mesh = plsc.VectorSubcoreMesh(core_axis_name="c", subcore_axis_name="s")

    @functools.partial(
        pl.kernel,
        mesh=mesh,
        compiler_params=pltpu.CompilerParams(use_tc_tiling_on_sc=True),
        out_type=jax.ShapeDtypeStruct((_B_TOT, _PAIR), jnp.float32),
        scratch_types=[
            pltpu.VMEM((_B_PER_W,), jnp.int32),
            pltpu.VMEM((_HALF, _PAIR), jnp.float32),
            pltpu.SemaphoreType.DMA,
            pltpu.SemaphoreType.DMA,
            pltpu.SemaphoreType.DMA,
            pltpu.SemaphoreType.DMA,
            pltpu.SemaphoreType.DMA,
            pltpu.SemaphoreType.DMA,
            pltpu.SemaphoreType.DMA,
            pltpu.SemaphoreType.DMA,
            pltpu.SemaphoreType.DMA,
        ],
    )
    def gather_kernel(
        table_hbm, idx_hbm, out_hbm, idx_v, rows_v, sem_i,
        s0, s1, s2, s3, s4, s5, s6, s7
    ):
        sems = (s0, s1, s2, s3, s4, s5, s6, s7)
        wid = lax.axis_index("s") * _NC + lax.axis_index("c")
        base = wid * _B_PER_W
        pltpu.async_copy(idx_hbm.at[pl.ds(base, _B_PER_W)], idx_v, sem_i).wait()
        for h in range(2):

            @pl.loop(0, _HALF, step=16)
            def _(g):
                vec = idx_v[pl.ds(h * _HALF + g, 16)]
                for j in range(16):
                    pltpu.async_copy(
                        table_hbm.at[pl.ds(vec[j], 1)],
                        rows_v.at[pl.ds(g + j, 1)],
                        sems[j % _NSEM],
                    )

            for k in range(_NSEM):
                pltpu.make_async_copy(
                    table_hbm.at[pl.ds(0, _HALF // _NSEM)],
                    rows_v.at[pl.ds(0, _HALF // _NSEM)],
                    sems[k],
                ).wait()
            pltpu.sync_copy(rows_v, out_hbm.at[pl.ds(base + h * _HALF, _HALF)])

    return gather_kernel(table2, pidx)


_N_STEP = 4
_ROWS = 128 // _N_STEP


def _align(rows, par):
    rolled = jnp.concatenate([rows[..., _EMB:], rows[..., :_EMB]], axis=-1)
    sel = jnp.where(par[..., None] > 0.5, rolled, rows)
    lane = lax.broadcasted_iota(jnp.int32, sel.shape, 2)
    return jnp.where(lane < _EMB, sel, 0.0)


def _tc_body(g_ref, par_ref, reward_ref, bpr_ref, reg_ref, loss_ref, acc_ref):
    step = pl.program_id(0)

    @pl.when(step == 0)
    def _():
        acc_ref[0] = 0.0
        acc_ref[1] = 0.0

    par = par_ref[...]
    u = _align(g_ref[0], par[0])
    p = _align(g_ref[1], par[1])
    n = _align(g_ref[2], par[2])
    pos_s = jnp.sum(u * p, axis=2)
    neg_s = jnp.sum(u * n, axis=2)
    ij = jnp.sum(p * n, axis=2)
    reward_ref[...] = neg_s + ij
    x = pos_s - neg_s
    acc_ref[0] += jnp.sum(jnp.log(jax.nn.sigmoid(x)))
    acc_ref[1] += jnp.sum(u * u) + jnp.sum(p * p) + jnp.sum(n * n)

    @pl.when(step == _N_STEP - 1)
    def _():
        bpr = -acc_ref[0] / _BATCH
        reg = _REG_W * 0.5 * acc_ref[1]
        bpr_ref[...] = jnp.full((1, 1), bpr, dtype=jnp.float32)
        reg_ref[...] = jnp.full((1, 1), reg, dtype=jnp.float32)
        loss_ref[...] = jnp.full((1, 1), bpr + reg, dtype=jnp.float32)


def _tc_compute(g4, par3):
    one = jax.ShapeDtypeStruct((1, 1), jnp.float32)
    one_spec = pl.BlockSpec((1, 1), lambda i: (0, 0))
    return pl.pallas_call(
        _tc_body,
        grid=(_N_STEP,),
        in_specs=[
            pl.BlockSpec((3, _ROWS, 128, _PAIR), lambda i: (0, i, 0, 0)),
            pl.BlockSpec((3, _ROWS, 128), lambda i: (0, i, 0)),
        ],
        out_specs=[
            pl.BlockSpec((_ROWS, 128), lambda i: (i, 0)),
            one_spec,
            one_spec,
            one_spec,
        ],
        out_shape=[
            jax.ShapeDtypeStruct((128, 128), jnp.float32),
            one,
            one,
            one,
        ],
        scratch_shapes=[pltpu.SMEM((2,), jnp.float32)],
    )(g4, par3)


def kernel(all_embed, u_id, pos_i_id, neg_i_id):
    table2 = _tc_transpose(all_embed.T)
    idx = jnp.concatenate([u_id, pos_i_id, neg_i_id]).astype(jnp.int32)
    blk = idx // _TBLK
    off = idx % _TBLK
    hi = off >= (_TBLK // 2)
    pidx = blk * (_TBLK // 2) + jnp.where(hi, off - _TBLK // 2, off)
    par = lax.convert_element_type(hi, jnp.float32)
    g = _sc_gather(table2, pidx)
    g4 = g.reshape(3, 128, 128, _PAIR)
    par3 = par.reshape(3, 128, 128)
    reward, bpr, reg, loss = _tc_compute(g4, par3)
    return reward.reshape(_BATCH), loss[0, 0], bpr[0, 0], reg[0, 0]

# --- scband reference (transcript-rebuilt; emitter-appended) ---
"""Pipeline reference for scband-mf-65609920414404 (READ-ONLY COPY).

The authoritative reference and input builder live on the scoring server;
editing this copy changes nothing except your own understanding.
"""

import jax, jax.numpy as jnp
import numpy as np

N_USERS = 1000000
N_ITEMS = 1000000
EMB = 64
BATCH = 16384
REGS = 1e-5


def setup_inputs(seed: int = 0) -> dict:
    key = jax.random.key(seed)
    k1, k2, k3, k4 = jax.random.split(key, 4)
    n_total = N_USERS + N_ITEMS
    # xavier_uniform_ init for the joint user+item embedding table
    limit = float(np.sqrt(6.0 / (n_total + EMB)))
    all_embed = jax.random.uniform(k1, (n_total, EMB), dtype=jnp.float32, minval=-limit, maxval=limit)
    u_id = jax.random.randint(k2, (BATCH,), 0, N_USERS, dtype=jnp.int64 if jax.config.jax_enable_x64 else jnp.int32).astype(jnp.int32)
    pos_i_id = jax.random.randint(k3, (BATCH,), 0, n_total, dtype=jnp.int32)
    neg_i_id = jax.random.randint(k4, (BATCH,), 0, n_total, dtype=jnp.int32)
    return {"all_embed": all_embed, "u_id": u_id, "pos_i_id": pos_i_id, "neg_i_id": neg_i_id}


def reference(all_embed, u_id, pos_i_id, neg_i_id):
    u_e = jnp.take(all_embed, u_id, axis=0)
    pos_e = jnp.take(all_embed, pos_i_id, axis=0)
    neg_e = jnp.take(all_embed, neg_i_id, axis=0)
    pos_scores = jnp.sum(u_e * pos_e, axis=1)
    neg_scores = jnp.sum(u_e * neg_e, axis=1)
    bpr_loss = jnp.log(jax.nn.sigmoid(pos_scores - neg_scores))
    bpr_loss = -jnp.mean(bpr_loss)
    def _l2(t):
        return jnp.sum(t ** 2) / 2
    reg_loss = _l2(u_e) + _l2(pos_e) + _l2(neg_e)
    reg_loss = REGS * reg_loss
    loss = bpr_loss + reg_loss
    ij = jnp.sum(neg_e * pos_e, axis=1)
    reward = neg_scores + ij
    return (reward, loss, bpr_loss, reg_loss)

if __name__ == "__main__":
    import jax
    _d = setup_inputs()
    print(jax.jit(kernel)(*tuple(_d.values())))

</pallas_src>

<mosaic_0001>
#map = affine_map<(d0, d1) -> (0, 0)>
#map1 = affine_map<(d0, d1) -> (0)>
module attributes {stable_mosaic.version = 14 : i64} {
  func.func @gather_kernel(%arg0: i32, %arg1: i32, %arg2: memref<1000000x128xf32, #tpu.memory_space<hbm>>, %arg3: memref<49152xi32, #tpu.memory_space<hbm>>, %arg4: memref<49152x128xf32, #tpu.memory_space<hbm>>, %arg5: memref<1536xi32, #tpu.memory_space<vmem>>, %arg6: memref<768x128xf32, #tpu.memory_space<vmem>>, %arg7: memref<!tpu.dma_semaphore, #tpu.memory_space<semaphore_mem>>, %arg8: memref<!tpu.dma_semaphore, #tpu.memory_space<semaphore_mem>>, %arg9: memref<!tpu.dma_semaphore, #tpu.memory_space<semaphore_mem>>, %arg10: memref<!tpu.dma_semaphore, #tpu.memory_space<semaphore_mem>>, %arg11: memref<!tpu.dma_semaphore, #tpu.memory_space<semaphore_mem>>, %arg12: memref<!tpu.dma_semaphore, #tpu.memory_space<semaphore_mem>>, %arg13: memref<!tpu.dma_semaphore, #tpu.memory_space<semaphore_mem>>, %arg14: memref<!tpu.dma_semaphore, #tpu.memory_space<semaphore_mem>>, %arg15: memref<!tpu.dma_semaphore, #tpu.memory_space<semaphore_mem>>) attributes {dimension_semantics = [#tpu.dimension_semantics<core_parallel>, #tpu.dimension_semantics<subcore_parallel>], iteration_bounds = array<i64: 2, 16>, scalar_prefetch = 0 : i64, scratch_operands = 11 : i64, tpu.core_type = #tpu.core_type<sc_vector_subcore>, window_params = [{transform_indices = #map}, {transform_indices = #map1}, {transform_indices = #map}]} {
    %mul3A = arith.constant 2 : i32
    %mul3A_0 = arith.muli %arg1, %mul3A : i32
    %add3A = arith.addi %mul3A_0, %arg0 : i32
    %mul3A_1 = arith.constant 1536 : i32
    %mul3A_2 = arith.muli %add3A, %mul3A_1 : i32
    %dma_start3A = tpu.memref_slice %arg3[%mul3A_2] : memref<49152xi32, #tpu.memory_space<hbm>> -> memref<1536xi32, #tpu.memory_space<hbm>>
    %dma_start3A_3 = tpu.memref_slice %arg3[%mul3A_2] : memref<49152xi32, #tpu.memory_space<hbm>> -> memref<1536xi32, #tpu.memory_space<hbm>>
    tpu.enqueue_dma source(%dma_start3A_3 : memref<1536xi32, #tpu.memory_space<hbm>>) target(%arg5 : memref<1536xi32, #tpu.memory_space<vmem>>) target_semaphore(%arg7 : memref<!tpu.dma_semaphore, #tpu.memory_space<semaphore_mem>>)
    %dma_wait3A = tpu.memref_slice %arg3[%mul3A_2] : memref<49152xi32, #tpu.memory_space<hbm>> -> memref<1536xi32, #tpu.memory_space<hbm>>
    %dma_wait3A_4 = tpu.memref_slice %arg3[%mul3A_2] : memref<49152xi32, #tpu.memory_space<hbm>> -> memref<1536xi32, #tpu.memory_space<hbm>>
    tpu.wait_dma2 semaphore(%arg7 : memref<!tpu.dma_semaphore, #tpu.memory_space<semaphore_mem>>) src(%dma_wait3A_4 : memref<1536xi32, #tpu.memory_space<hbm>>) dst(%arg5 : memref<1536xi32, #tpu.memory_space<vmem>>)
    %scan3A = arith.constant 0 : i32
    %scan3A_5 = arith.constant 48 : i32
    %scan3A_6 = arith.addi %scan3A, %scan3A_5 : i32
    %scan3A_7 = arith.constant 1 : i32
    scf.for %scan3A_210 = %scan3A to %scan3A_6 step %scan3A_7  : i32 {
      %mul3A_211 = arith.constant 16 : i32
      %mul3A_212 = arith.muli %scan3A_210, %mul3A_211 : i32
      %add3A_213 = arith.constant 0 : i32
      %add3A_214 = arith.addi %add3A_213, %mul3A_212 : i32
      %add3A_215 = arith.constant 0 : i32
      %add3A_216 = arith.addi %add3A_215, %add3A_214 : i32
      %get3A = arith.index_cast %add3A_216 : i32 to index
      %get3A_217 = tpu.vector_load %arg5[%get3A] {strides = array<i32>} : memref<1536xi32, #tpu.memory_space<vmem>>, vector<16xi32>,
      %get3A_218 = vector.shape_cast %get3A_217 : vector<16xi32> to vector<16xi32>
      %slice3A = vector.extract_strided_slice %get3A_218 {offsets = [0], sizes = [1], strides = [1]} : vector<16xi32> to vector<1xi32>
      %squeeze3A = vector.extract %slice3A[0] : i32 from vector<1xi32>
      %add3A_219 = arith.constant 0 : i32
      %add3A_220 = arith.addi %add3A_214, %add3A_219 : i32
      %dma_start3A_221 = arith.constant 0 : i32
      %dma_start3A_222 = tpu.memref_slice %arg6[%add3A_220, %dma_start3A_221] : memref<768x128xf32, #tpu.memory_space<vmem>> -> memref<1x128xf32, #tpu.memory_space<vmem>>
      %dma_start3A_223 = arith.constant 0 : i32
      %dma_start3A_224 = tpu.memref_slice %arg2[%squeeze3A, %dma_start3A_223] : memref<1000000x128xf32, #tpu.memory_space<hbm>> -> memref<1x128xf32, #tpu.memory_space<hbm>>
      %dma_start3A_225 = arith.constant 0 : i32
      %dma_start3A_226 = tpu.memref_slice %arg6[%add3A_220, %dma_start3A_225] : memref<768x128xf32, #tpu.memory_space<vmem>> -> memref<1x128xf32, #tpu.memory_space<vmem>>
      %dma_start3A_227 = arith.constant 0 : i32
      %dma_start3A_228 = tpu.memref_slice %arg2[%squeeze3A, %dma_start3A_227] : memref<1000000x128xf32, #tpu.memory_space<hbm>> -> memref<1x128xf32, #tpu.memory_space<hbm>>
      tpu.enqueue_dma source(%dma_start3A_228 : memref<1x128xf32, #tpu.memory_space<hbm>>) target(%dma_start3A_226 : memref<1x128xf32, #tpu.memory_space<vmem>>) target_semaphore(%arg8 : memref<!tpu.dma_semaphore, #tpu.memory_space<semaphore_mem>>)
      %slice3A_229 = vector.extract_strided_slice %get3A_218 {offsets = [1], sizes = [1], strides = [1]} : vector<16xi32> to vector<1xi32>
      %squeeze3A_230 = vector.extract %slice3A_229[0] : i32 from vector<1xi32>
      %add3A_231 = arith.constant 1 : i32
      %add3A_232 = arith.addi %add3A_214, %add3A_231 : i32
      %dma_start3A_233 = arith.constant 0 : i32
      %dma_start3A_234 = tpu.memref_slice %arg6[%add3A_232, %dma_start3A_233] : memref<768x128xf32, #tpu.memory_space<vmem>> -> memref<1x128xf32, #tpu.memory_space<vmem>>
      %dma_start3A_235 = arith.constant 0 : i32
      %dma_start3A_236 = tpu.memref_slice %arg2[%squeeze3A_230, %dma_start3A_235] : memref<1000000x128xf32, #tpu.memory_space<hbm>> -> memref<1x128xf32, #tpu.memory_space<hbm>>
      %dma_start3A_237 = arith.constant 0 : i32
      %dma_start3A_238 = tpu.memref_slice %arg6[%add3A_232, %dma_start3A_237] : memref<768x128xf32, #tpu.memory_space<vmem>> -> memref<1x128xf32, #tpu.memory_space<vmem>>
      %dma_start3A_239 = arith.constant 0 : i32
      %dma_start3A_240 = tpu.memref_slice %arg2[%squeeze3A_230, %dma_start3A_239] : memref<1000000x128xf32, #tpu.memory_space<hbm>> -> memref<1x128xf32, #tpu.memory_space<hbm>>
      tpu.enqueue_dma source(%dma_start3A_240 : memref<1x128xf32, #tpu.memory_space<hbm>>) target(%dma_start3A_238 : memref<1x128xf32, #tpu.memory_space<vmem>>) target_semaphore(%arg9 : memref<!tpu.dma_semaphore, #tpu.memory_space<semaphore_mem>>)
      %slice3A_241 = vector.extract_strided_slice %get3A_218 {offsets = [2], sizes = [1], strides = [1]} : vector<16xi32> to vector<1xi32>
      %squeeze3A_242 = vector.extract %slice3A_241[0] : i32 from vector<1xi32>
      %add3A_243 = arith.constant 2 : i32
      %add3A_244 = arith.addi %add3A_214, %add3A_243 : i32
      %dma_start3A_245 = arith.constant 0 : i32
      %dma_start3A_246 = tpu.memref_slice %arg6[%add3A_244, %dma_start3A_245] : memref<768x128xf32, #tpu.memory_space<vmem>> -> memref<1x128xf32, #tpu.memory_space<vmem>>
      %dma_start3A_247 = arith.constant 0 : i32
      %dma_start3A_248 = tpu.memref_slice %arg2[%squeeze3A_242, %dma_start3A_247] : memref<1000000x128xf32, #tpu.memory_space<hbm>> -> memref<1x128xf32, #tpu.memory_space<hbm>>
      %dma_start3A_249 = arith.constant 0 : i32
      %dma_start3A_250 = tpu.memref_slice %arg6[%add3A_244, %dma_start3A_249] : memref<768x128xf32, #tpu.memory_space<vmem>> -> memref<1x128xf32, #tpu.memory_space<vmem>>
      %dma_start3A_251 = arith.constant 0 : i32
      %dma_start3A_252 = tpu.memref_slice %arg2[%squeeze3A_242, %dma_start3A_251] : memref<1000000x128xf32, #tpu.memory_space<hbm>> -> memref<1x128xf32, #tpu.memory_space<hbm>>
      tpu.enqueue_dma source(%dma_start3A_252 : memref<1x128xf32, #tpu.memory_space<hbm>>) target(%dma_start3A_250 : memref<1x128xf32, #tpu.memory_space<vmem>>) target_semaphore(%arg10 : memref<!tpu.dma_semaphore, #tpu.memory_space<semaphore_mem>>)
      %slice3A_253 = vector.extract_strided_slice %get3A_218 {offsets = [3], sizes = [1], strides = [1]} : vector<16xi32> to vector<1xi32>
      %squeeze3A_254 = vector.extract %slice3A_253[0] : i32 from vector<1xi32>
      %add3A_255 = arith.constant 3 : i32
      %add3A_256 = arith.addi %add3A_214, %add3A_255 : i32
      %dma_start3A_257 = arith.constant 0 : i32
      %dma_start3A_258 = tpu.memref_slice %arg6[%add3A_256, %dma_start3A_257] : memref<768x128xf32, #tpu.memory_space<vmem>> -> memref<1x128xf32, #tpu.memory_space<vmem>>
      %dma_start3A_259 = arith.constant 0 : i32
      %dma_start3A_260 = tpu.memref_slice %arg2[%squeeze3A_254, %dma_start3A_259] : memref<1000000x128xf32, #tpu.memory_space<hbm>> -> memref<1x128xf32, #tpu.memory_space<hbm>>
      %dma_start3A_261 = arith.constant 0 : i32
      %dma_start3A_262 = tpu.memref_slice %arg6[%add3A_256, %dma_start3A_261] : memref<768x128xf32, #tpu.memory_space<vmem>> -> memref<1x128xf32, #tpu.memory_space<vmem>>
      %dma_start3A_263 = arith.constant 0 : i32
      %dma_start3A_264 = tpu.memref_slice %arg2[%squeeze3A_254, %dma_start3A_263] : memref<1000000x128xf32, #tpu.memory_space<hbm>> -> memref<1x128xf32, #tpu.memory_space<hbm>>
      tpu.enqueue_dma source(%dma_start3A_264 : memref<1x128xf32, #tpu.memory_space<hbm>>) target(%dma_start3A_262 : memref<1x128xf32, #tpu.memory_space<vmem>>) target_semaphore(%arg11 : memref<!tpu.dma_semaphore, #tpu.memory_space<semaphore_mem>>)
      %slice3A_265 = vector.extract_strided_slice %get3A_218 {offsets = [4], sizes = [1], strides = [1]} : vector<16xi32> to vector<1xi32>
      %squeeze3A_266 = vector.extract %slice3A_265[0] : i32 from vector<1xi32>
      %add3A_267 = arith.constant 4 : i32
      %add3A_268 = arith.addi %add3A_214, %add3A_267 : i32
      %dma_start3A_269 = arith.constant 0 : i32
      %dma_start3A_270 = tpu.memref_slice %arg6[%add3A_268, %dma_start3A_269] : memref<768x128xf32, #tpu.memory_space<vmem>> -> memref<1x128xf32, #tpu.memory_space<vmem>>
      %dma_start3A_271 = arith.constant 0 : i32
      %dma_start3A_272 = tpu.memref_slice %arg2[%squeeze3A_266, %dma_start3A_271] : memref<1000000x128xf32, #tpu.memory_space<hbm>> -> memref<1x128xf32, #tpu.memory_space<hbm>>
      %dma_start3A_273 = arith.constant 0 : i32
      %dma_start3A_274 = tpu.memref_slice %arg6[%add3A_268, %dma_start3A_273] : memref<768x128xf32, #tpu.memory_space<vmem>> -> memref<1x128xf32, #tpu.memory_space<vmem>>
      %dma_start3A_275 = arith.constant 0 : i32
      %dma_start3A_276 = tpu.memref_slice %arg2[%squeeze3A_266, %dma_start3A_275] : memref<1000000x128xf32, #tpu.memory_space<hbm>> -> memref<1x128xf32, #tpu.memory_space<hbm>>
      tpu.enqueue_dma source(%dma_start3A_276 : memref<1x128xf32, #tpu.memory_space<hbm>>) target(%dma_start3A_274 : memref<1x128xf32, #tpu.memory_space<vmem>>) target_semaphore(%arg12 : memref<!tpu.dma_semaphore, #tpu.memory_space<semaphore_mem>>)
      %slice3A_277 = vector.extract_strided_slice %get3A_218 {offsets = [5], sizes = [1], strides = [1]} : vector<16xi32> to vector<1xi32>
      %squeeze3A_278 = vector.extract %slice3A_277[0] : i32 from vector<1xi32>
      %add3A_279 = arith.constant 5 : i32
      %add3A_280 = arith.addi %add3A_214, %add3A_279 : i32
      %dma_start3A_281 = arith.constant 0 : i32
      %dma_start3A_282 = tpu.memref_slice %arg6[%add3A_280, %dma_start3A_281] : memref<768x128xf32, #tpu.memory_space<vmem>> -> memref<1x128xf32, #tpu.memory_space<vmem>>
      %dma_start3A_283 = arith.constant 0 : i32
      %dma_start3A_284 = tpu.memref_slice %arg2[%squeeze3A_278, %dma_start3A_283] : memref<1000000x128xf32, #tpu.memory_space<hbm>> -> memref<1x128xf32, #tpu.memory_space<hbm>>
      %dma_start3A_285 = arith.constant 0 : i32
      %dma_start3A_286 = tpu.memref_slice %arg6[%add3A_280, %dma_start3A_285] : memref<768x128xf32, #tpu.memory_space<vmem>> -> memref<1x128xf32, #tpu.memory_space<vmem>>
      %dma_start3A_287 = arith.constant 0 : i32
      %dma_start3A_288 = tpu.memref_slice %arg2[%squeeze3A_278, %dma_start3A_287] : memref<1000000x128xf32, #tpu.memory_space<hbm>> -> memref<1x128xf32, #tpu.memory_space<hbm>>
      tpu.enqueue_dma source(%dma_start3A_288 : memref<1x128xf32, #tpu.memory_space<hbm>>) target(%dma_start3A_286 : memref<1x128xf32, #tpu.memory_space<vmem>>) target_semaphore(%arg13 : memref<!tpu.dma_semaphore, #tpu.memory_space<semaphore_mem>>)
      %slice3A_289 = vector.extract_strided_slice %get3A_218 {offsets = [6], sizes = [1], strides = [1]} : vector<16xi32> to vector<1xi32>
      %squeeze3A_290 = vector.extract %slice3A_289[0] : i32 from vector<1xi32>
      %add3A_291 = arith.constant 6 : i32
      %add3A_292 = arith.addi %add3A_214, %add3A_291 : i32
      %dma_start3A_293 = arith.constant 0 : i32
      %dma_start3A_294 = tpu.memref_slice %arg6[%add3A_292, %dma_start3A_293] : memref<768x128xf32, #tpu.memory_space<vmem>> -> memref<1x128xf32, #tpu.memory_space<vmem>>
      %dma_start3A_295 = arith.constant 0 : i32
      %dma_start3A_296 = tpu.memref_slice %arg2[%squeeze3A_290, %dma_start3A_295] : memref<1000000x128xf32, #tpu.memory_space<hbm>> -> memref<1x128xf32, #tpu.memory_space<hbm>>
      %dma_start3A_297 = arith.constant 0 : i32
      %dma_start3A_298 = tpu.memref_slice %arg6[%add3A_292, %dma_start3A_297] : memref<768x128xf32, #tpu.memory_space<vmem>> -> memref<1x128xf32, #tpu.memory_space<vmem>>
      %dma_start3A_299 = arith.constant 0 : i32
      %dma_start3A_300 = tpu.memref_slice %arg2[%squeeze3A_290, %dma_start3A_299] : memref<1000000x128xf32, #tpu.memory_space<hbm>> -> memref<1x128xf32, #tpu.memory_space<hbm>>
      tpu.enqueue_dma source(%dma_start3A_300 : memref<1x128xf32, #tpu.memory_space<hbm>>) target(%dma_start3A_298 : memref<1x128xf32, #tpu.memory_space<vmem>>) target_semaphore(%arg14 : memref<!tpu.dma_semaphore, #tpu.memory_space<semaphore_mem>>)
      %slice3A_301 = vector.extract_strided_slice %get3A_218 {offsets = [7], sizes = [1], strides = [1]} : vector<16xi32> to vector<1xi32>
      %squeeze3A_302 = vector.extract %slice3A_301[0] : i32 from vector<1xi32>
      %add3A_303 = arith.constant 7 : i32
      %add3A_304 = arith.addi %add3A_214, %add3A_303 : i32
      %dma_start3A_305 = arith.constant 0 : i32
      %dma_start3A_306 = tpu.memref_slice %arg6[%add3A_304, %dma_start3A_305] : memref<768x128xf32, #tpu.memory_space<vmem>> -> memref<1x128xf32, #tpu.memory_space<vmem>>
      %dma_start3A_307 = arith.constant 0 : i32
      %dma_start3A_308 = tpu.memref_slice %arg2[%squeeze3A_302, %dma_start3A_307] : memref<1000000x128xf32, #tpu.memory_space<hbm>> -> memref<1x128xf32, #tpu.memory_space<hbm>>
      %dma_start3A_309 = arith.constant 0 : i32
      %dma_start3A_310 = tpu.memref_slice %arg6[%add3A_304, %dma_start3A_309] : memref<768x128xf32, #tpu.memory_space<vmem>> -> memref<1x128xf32, #tpu.memory_space<vmem>>
      %dma_start3A_311 = arith.constant 0 : i32
      %dma_start3A_312 = tpu.memref_slice %arg2[%squeeze3A_302, %dma_start3A_311] : memref<1000000x128xf32, #tpu.memory_space<hbm>> -> memref<1x128xf32, #tpu.memory_space<hbm>>
      tpu.enqueue_dma source(%dma_start3A_312 : memref<1x128xf32, #tpu.memory_space<hbm>>) target(%dma_start3A_310 : memref<1x128xf32, #tpu.memory_space<vmem>>) target_semaphore(%arg15 : memref<!tpu.dma_semaphore, #tpu.memory_space<semaphore_mem>>)
      %slice3A_313 = vector.extract_strided_slice %get3A_218 {offsets = [8], sizes = [1], strides = [1]} : vector<16xi32> to vector<1xi32>
      %squeeze3A_314 = vector.extract %slice3A_313[0] : i32 from vector<1xi32>
      %add3A_315 = arith.constant 8 : i32
      %add3A_316 = arith.addi %add3A_214, %add3A_315 : i32
      %dma_start3A_317 = arith.constant 0 : i32
      %dma_start3A_318 = tpu.memref_slice %arg6[%add3A_316, %dma_start3A_317] : memref<768x128xf32, #tpu.memory_space<vmem>> -> memref<1x128xf32, #tpu.memory_space<vmem>>
      %dma_start3A_319 = arith.constant 0 : i32
      %dma_start3A_320 = tpu.memref_slice %arg2[%squeeze3A_314, %dma_start3A_319] : memref<1000000x128xf32, #tpu.memory_space<hbm>> -> memref<1x128xf32, #tpu.memory_space<hbm>>
      %dma_start3A_321 = arith.constant 0 : i32
      %dma_start3A_322 = tpu.memref_slice %arg6[%add3A_316, %dma_start3A_321] : memref<768x128xf32, #tpu.memory_space<vmem>> -> memref<1x128xf32, #tpu.memory_space<vmem>>
      %dma_start3A_323 = arith.constant 0 : i32
      %dma_start3A_324 = tpu.memref_slice %arg2[%squeeze3A_314, %dma_start3A_323] : memref<1000000x128xf32, #tpu.memory_space<hbm>> -> memref<1x128xf32, #tpu.memory_space<hbm>>
      tpu.enqueue_dma source(%dma_start3A_324 : memref<1x128xf32, #tpu.memory_space<hbm>>) target(%dma_start3A_322 : memref<1x128xf32, #tpu.memory_space<vmem>>) target_semaphore(%arg8 : memref<!tpu.dma_semaphore, #tpu.memory_space<semaphore_mem>>)
      %slice3A_325 = vector.extract_strided_slice %get3A_218 {offsets = [9], sizes = [1], strides = [1]} : vector<16xi32> to vector<1xi32>
      %squeeze3A_326 = vector.extract %slice3A_325[0] : i32 from vector<1xi32>
      %add3A_327 = arith.constant 9 : i32
      %add3A_328 = arith.addi %add3A_214, %add3A_327 : i32
      %dma_start3A_329 = arith.constant 0 : i32
      %dma_start3A_330 = tpu.memref_slice %arg6[%add3A_328, %dma_start3A_329] : memref<768x128xf32, #tpu.memory_space<vmem>> -> memref<1x128xf32, #tpu.memory_space<vmem>>
      %dma_start3A_331 = arith.constant 0 : i32
      %dma_start3A_332 = tpu.memref_slice %arg2[%squeeze3A_326, %dma_start3A_331] : memref<1000000x128xf32, #tpu.memory_space<hbm>> -> memref<1x128xf32, #tpu.memory_space<hbm>>
      %dma_start3A_333 = arith.constant 0 : i32
      %dma_start3A_334 = tpu.memref_slice %arg6[%add3A_328, %dma_start3A_333] : memref<768x128xf32, #tpu.memory_space<vmem>> -> memref<1x128xf32, #tpu.memory_space<vmem>>
      %dma_start3A_335 = arith.constant 0 : i32
      %dma_start3A_336 = tpu.memref_slice %arg2[%squeeze3A_326, %dma_start3A_335] : memref<1000000x128xf32, #tpu.memory_space<hbm>> -> memref<1x128xf32, #tpu.memory_space<hbm>>
      tpu.enqueue_dma source(%dma_start3A_336 : memref<1x128xf32, #tpu.memory_space<hbm>>) target(%dma_start3A_334 : memref<1x128xf32, #tpu.memory_space<vmem>>) target_semaphore(%arg9 : memref<!tpu.dma_semaphore, #tpu.memory_space<semaphore_mem>>)
      %slice3A_337 = vector.extract_strided_slice %get3A_218 {offsets = [10], sizes = [1], strides = [1]} : vector<16xi32> to vector<1xi32>
      %squeeze3A_338 = vector.extract %slice3A_337[0] : i32 from vector<1xi32>
      %add3A_339 = arith.constant 10 : i32
      %add3A_340 = arith.addi %add3A_214, %add3A_339 : i32
      %dma_start3A_341 = arith.constant 0 : i32
      %dma_start3A_342 = tpu.memref_slice %arg6[%add3A_340, %dma_start3A_341] : memref<768x128xf32, #tpu.memory_space<vmem>> -> memref<1x128xf32, #tpu.memory_space<vmem>>
      %dma_start3A_343 = arith.constant 0 : i32
      %dma_start3A_344 = tpu.memref_slice %arg2[%squeeze3A_338, %dma_start3A_343] : memref<1000000x128xf32, #tpu.memory_space<hbm>> -> memref<1x128xf32, #tpu.memory_space<hbm>>
      %dma_start3A_345 = arith.constant 0 : i32
      %dma_start3A_346 = tpu.memref_slice %arg6[%add3A_340, %dma_start3A_345] : memref<768x128xf32, #tpu.memory_space<vmem>> -> memref<1x128xf32, #tpu.memory_space<vmem>>
      %dma_start3A_347 = arith.constant 0 : i32
      %dma_start3A_348 = tpu.memref_slice %arg2[%squeeze3A_338, %dma_start3A_347] : memref<1000000x128xf32, #tpu.memory_space<hbm>> -> memref<1x128xf32, #tpu.memory_space<hbm>>
      tpu.enqueue_dma source(%dma_start3A_348 : memref<1x128xf32, #tpu.memory_space<hbm>>) target(%dma_start3A_346 : memref<1x128xf32, #tpu.memory_space<vmem>>) target_semaphore(%arg10 : memref<!tpu.dma_semaphore, #tpu.memory_space<semaphore_mem>>)
      %slice3A_349 = vector.extract_strided_slice %get3A_218 {offsets = [11], sizes = [1], strides = [1]} : vector<16xi32> to vector<1xi32>
      %squeeze3A_350 = vector.extract %slice3A_349[0] : i32 from vector<1xi32>
      %add3A_351 = arith.constant 11 : i32
      %add3A_352 = arith.addi %add3A_214, %add3A_351 : i32
      %dma_start3A_353 = arith.constant 0 : i32
      %dma_start3A_354 = tpu.memref_slice %arg6[%add3A_352, %dma_start3A_353] : memref<768x128xf32, #tpu.memory_space<vmem>> -> memref<1x128xf32, #tpu.memory_space<vmem>>
      %dma_start3A_355 = arith.constant 0 : i32
      %dma_start3A_356 = tpu.memref_slice %arg2[%squeeze3A_350, %dma_start3A_355] : memref<1000000x128xf32, #tpu.memory_space<hbm>> -> memref<1x128xf32, #tpu.memory_space<hbm>>
      %dma_start3A_357 = arith.constant 0 : i32
      %dma_start3A_358 = tpu.memref_slice %arg6[%add3A_352, %dma_start3A_357] : memref<768x128xf32, #tpu.memory_space<vmem>> -> memref<1x128xf32, #tpu.memory_space<vmem>>
      %dma_start3A_359 = arith.constant 0 : i32
      %dma_start3A_360 = tpu.memref_slice %arg2[%squeeze3A_350, %dma_start3A_359] : memref<1000000x128xf32, #tpu.memory_space<hbm>> -> memref<1x128xf32, #tpu.memory_space<hbm>>
      tpu.enqueue_dma source(%dma_start3A_360 : memref<1x128xf32, #tpu.memory_space<hbm>>) target(%dma_start3A_358 : memref<1x128xf32, #tpu.memory_space<vmem>>) target_semaphore(%arg11 : memref<!tpu.dma_semaphore, #tpu.memory_space<semaphore_mem>>)
      %slice3A_361 = vector.extract_strided_slice %get3A_218 {offsets = [12], sizes = [1], strides = [1]} : vector<16xi32> to vector<1xi32>
      %squeeze3A_362 = vector.extract %slice3A_361[0] : i32 from vector<1xi32>
      %add3A_363 = arith.constant 12 : i32
      %add3A_364 = arith.addi %add3A_214, %add3A_363 : i32
      %dma_start3A_365 = arith.constant 0 : i32
      %dma_start3A_366 = tpu.memref_slice %arg6[%add3A_364, %dma_start3A_365] : memref<768x128xf32, #tpu.memory_space<vmem>> -> memref<1x128xf32, #tpu.memory_space<vmem>>
      %dma_start3A_367 = arith.constant 0 : i32
      %dma_start3A_368 = tpu.memref_slice %arg2[%squeeze3A_362, %dma_start3A_367] : memref<1000000x128xf32, #tpu.memory_space<hbm>> -> memref<1x128xf32, #tpu.memory_space<hbm>>
      %dma_start3A_369 = arith.constant 0 : i32
      %dma_start3A_370 = tpu.memref_slice %arg6[%add3A_364, %dma_start3A_369] : memref<768x128xf32, #tpu.memory_space<vmem>> -> memref<1x128xf32, #tpu.memory_space<vmem>>
      %dma_start3A_371 = arith.constant 0 : i32
      %dma_start3A_372 = tpu.memref_slice %arg2[%squeeze3A_362, %dma_start3A_371] : memref<1000000x128xf32, #tpu.memory_space<hbm>> -> memref<1x128xf32, #tpu.memory_space<hbm>>
      tpu.enqueue_dma source(%dma_start3A_372 : memref<1x128xf32, #tpu.memory_space<hbm>>) target(%dma_start3A_370 : memref<1x128xf32, #tpu.memory_space<vmem>>) target_semaphore(%arg12 : memref<!tpu.dma_semaphore, #tpu.memory_space<semaphore_mem>>)
      %slice3A_373 = vector.extract_strided_slice %get3A_218 {offsets = [13], sizes = [1], strides = [1]} : vector<16xi32> to vector<1xi32>
      %squeeze3A_374 = vector.extract %slice3A_373[0] : i32 from vector<1xi32>
      %add3A_375 = arith.constant 13 : i32
      %add3A_376 = arith.addi %add3A_214, %add3A_375 : i32
      %dma_start3A_377 = arith.constant 0 : i32
      %dma_start3A_378 = tpu.memref_slice %arg6[%add3A_376, %dma_start3A_377] : memref<768x128xf32, #tpu.memory_space<vmem>> -> memref<1x128xf32, #tpu.memory_space<vmem>>
      %dma_start3A_379 = arith.constant 0 : i32
      %dma_start3A_380 = tpu.memref_slice %arg2[%squeeze3A_374, %dma_start3A_379] : memref<1000000x128xf32, #tpu.memory_space<hbm>> -> memref<1x128xf32, #tpu.memory_space<hbm>>
      %dma_start3A_381 = arith.constant 0 : i32
      %dma_start3A_382 = tpu.memref_slice %arg6[%add3A_376, %dma_start3A_381] : memref<768x128xf32, #tpu.memory_space<vmem>> -> memref<1x128xf32, #tpu.memory_space<vmem>>
      %dma_start3A_383 = arith.constant 0 : i32
      %dma_start3A_384 = tpu.memref_slice %arg2[%squeeze3A_374, %dma_start3A_383] : memref<1000000x128xf32, #tpu.memory_space<hbm>> -> memref<1x128xf32, #tpu.memory_space<hbm>>
      tpu.enqueue_dma source(%dma_start3A_384 : memref<1x128xf32, #tpu.memory_space<hbm>>) target(%dma_start3A_382 : memref<1x128xf32, #tpu.memory_space<vmem>>) target_semaphore(%arg13 : memref<!tpu.dma_semaphore, #tpu.memory_space<semaphore_mem>>)
      %slice3A_385 = vector.extract_strided_slice %get3A_218 {offsets = [14], sizes = [1], strides = [1]} : vector<16xi32> to vector<1xi32>
      %squeeze3A_386 = vector.extract %slice3A_385[0] : i32 from vector<1xi32>
      %add3A_387 = arith.constant 14 : i32
      %add3A_388 = arith.addi %add3A_214, %add3A_387 : i32
      %dma_start3A_389 = arith.constant 0 : i32
      %dma_start3A_390 = tpu.memref_slice %arg6[%add3A_388, %dma_start3A_389] : memref<768x128xf32, #tpu.memory_space<vmem>> -> memref<1x128xf32, #tpu.memory_space<vmem>>
      %dma_start3A_391 = arith.constant 0 : i32
      %dma_start3A_392 = tpu.memref_slice %arg2[%squeeze3A_386, %dma_start3A_391] : memref<1000000x128xf32, #tpu.memory_space<hbm>> -> memref<1x128xf32, #tpu.memory_space<hbm>>
      %dma_start3A_393 = arith.constant 0 : i32
      %dma_start3A_394 = tpu.memref_slice %arg6[%add3A_388, %dma_start3A_393] : memref<768x128xf32, #tpu.memory_space<vmem>> -> memref<1x128xf32, #tpu.memory_space<vmem>>
      %dma_start3A_395 = arith.constant 0 : i32
      %dma_start3A_396 = tpu.memref_slice %arg2[%squeeze3A_386, %dma_start3A_395] : memref<1000000x128xf32, #tpu.memory_space<hbm>> -> memref<1x128xf32, #tpu.memory_space<hbm>>
      tpu.enqueue_dma source(%dma_start3A_396 : memref<1x128xf32, #tpu.memory_space<hbm>>) target(%dma_start3A_394 : memref<1x128xf32, #tpu.memory_space<vmem>>) target_semaphore(%arg14 : memref<!tpu.dma_semaphore, #tpu.memory_space<semaphore_mem>>)
      %slice3A_397 = vector.extract_strided_slice %get3A_218 {offsets = [15], sizes = [1], strides = [1]} : vector<16xi32> to vector<1xi32>
      %squeeze3A_398 = vector.extract %slice3A_397[0] : i32 from vector<1xi32>
      %add3A_399 = arith.constant 15 : i32
      %add3A_400 = arith.addi %add3A_214, %add3A_399 : i32
      %dma_start3A_401 = arith.constant 0 : i32
      %dma_start3A_402 = tpu.memref_slice %arg6[%add3A_400, %dma_start3A_401] : memref<768x128xf32, #tpu.memory_space<vmem>> -> memref<1x128xf32, #tpu.memory_space<vmem>>
      %dma_start3A_403 = arith.constant 0 : i32
      %dma_start3A_404 = tpu.memref_slice %arg2[%squeeze3A_398, %dma_start3A_403] : memref<1000000x128xf32, #tpu.memory_space<hbm>> -> memref<1x128xf32, #tpu.memory_space<hbm>>
      %dma_start3A_405 = arith.constant 0 : i32
      %dma_start3A_406 = tpu.memref_slice %arg6[%add3A_400, %dma_start3A_405] : memref<768x128xf32, #tpu.memory_space<vmem>> -> memref<1x128xf32, #tpu.memory_space<vmem>>
      %dma_start3A_407 = arith.constant 0 : i32
      %dma_start3A_408 = tpu.memref_slice %arg2[%squeeze3A_398, %dma_start3A_407] : memref<1000000x128xf32, #tpu.memory_space<hbm>> -> memref<1x128xf32, #tpu.memory_space<hbm>>
      tpu.enqueue_dma source(%dma_start3A_408 : memref<1x128xf32, #tpu.memory_space<hbm>>) target(%dma_start3A_406 : memref<1x128xf32, #tpu.memory_space<vmem>>) target_semaphore(%arg15 : memref<!tpu.dma_semaphore, #tpu.memory_space<semaphore_mem>>)
    }
    %scan3A_8 = arith.constant 48 : i32
    %dma_wait3A_9 = arith.constant 0 : i32
    %dma_wait3A_10 = arith.constant 0 : i32
    %dma_wait3A_11 = tpu.memref_slice %arg6[%dma_wait3A_9, %dma_wait3A_10] : memref<768x128xf32, #tpu.memory_space<vmem>> -> memref<96x128xf32, #tpu.memory_space<vmem>>
    %dma_wait3A_12 = arith.constant 0 : i32
    %dma_wait3A_13 = arith.constant 0 : i32
    %dma_wait3A_14 = tpu.memref_slice %arg2[%dma_wait3A_12, %dma_wait3A_13] : memref<1000000x128xf32, #tpu.memory_space<hbm>> -> memref<96x128xf32, #tpu.memory_space<hbm>>
    %dma_wait3A_15 = arith.constant 0 : i32
    %dma_wait3A_16 = arith.constant 0 : i32
    %dma_wait3A_17 = tpu.memref_slice %arg6[%dma_wait3A_15, %dma_wait3A_16] : memref<768x128xf32, #tpu.memory_space<vmem>> -> memref<96x128xf32, #tpu.memory_space<vmem>>
    %dma_wait3A_18 = arith.constant 0 : i32
    %dma_wait3A_19 = arith.constant 0 : i32
    %dma_wait3A_20 = tpu.memref_slice %arg2[%dma_wait3A_18, %dma_wait3A_19] : memref<1000000x128xf32, #tpu.memory_space<hbm>> -> memref<96x128xf32, #tpu.memory_space<hbm>>
    tpu.wait_dma2 semaphore(%arg8 : memref<!tpu.dma_semaphore, #tpu.memory_space<semaphore_mem>>) src(%dma_wait3A_20 : memref<96x128xf32, #tpu.memory_space<hbm>>) dst(%dma_wait3A_17 : memref<96x128xf32, #tpu.memory_space<vmem>>)
    %dma_wait3A_21 = arith.constant 0 : i32
    %dma_wait3A_22 = arith.constant 0 : i32
    %dma_wait3A_23 = tpu.memref_slice %arg6[%dma_wait3A_21, %dma_wait3A_22] : memref<768x128xf32, #tpu.memory_space<vmem>> -> memref<96x128xf32, #tpu.memory_space<vmem>>
    %dma_wait3A_24 = arith.constant 0 : i32
    %dma_wait3A_25 = arith.constant 0 : i32
    %dma_wait3A_26 = tpu.memref_slice %arg2[%dma_wait3A_24, %dma_wait3A_25] : memref<1000000x128xf32, #tpu.memory_space<hbm>> -> memref<96x128xf32, #tpu.memory_space<hbm>>
    %dma_wait3A_27 = arith.constant 0 : i32
    %dma_wait3A_28 = arith.constant 0 : i32
    %dma_wait3A_29 = tpu.memref_slice %arg6[%dma_wait3A_27, %dma_wait3A_28] : memref<768x128xf32, #tpu.memory_space<vmem>> -> memref<96x128xf32, #tpu.memory_space<vmem>>
    %dma_wait3A_30 = arith.constant 0 : i32
    %dma_wait3A_31 = arith.constant 0 : i32
    %dma_wait3A_32 = tpu.memref_slice %arg2[%dma_wait3A_30, %dma_wait3A_31] : memref<1000000x128xf32, #tpu.memory_space<hbm>> -> memref<96x128xf32, #tpu.memory_space<hbm>>
    tpu.wait_dma2 semaphore(%arg9 : memref<!tpu.dma_semaphore, #tpu.memory_space<semaphore_mem>>) src(%dma_wait3A_32 : memref<96x128xf32, #tpu.memory_space<hbm>>) dst(%dma_wait3A_29 : memref<96x128xf32, #tpu.memory_space<vmem>>)
    %dma_wait3A_33 = arith.constant 0 : i32
    %dma_wait3A_34 = arith.constant 0 : i32
    %dma_wait3A_35 = tpu.memref_slice %arg6[%dma_wait3A_33, %dma_wait3A_34] : memref<768x128xf32, #tpu.memory_space<vmem>> -> memref<96x128xf32, #tpu.memory_space<vmem>>
    %dma_wait3A_36 = arith.constant 0 : i32
    %dma_wait3A_37 = arith.constant 0 : i32
    %dma_wait3A_38 = tpu.memref_slice %arg2[%dma_wait3A_36, %dma_wait3A_37] : memref<1000000x128xf32, #tpu.memory_space<hbm>> -> memref<96x128xf32, #tpu.memory_space<hbm>>
    %dma_wait3A_39 = arith.constant 0 : i32
    %dma_wait3A_40 = arith.constant 0 : i32
    %dma_wait3A_41 = tpu.memref_slice %arg6[%dma_wait3A_39, %dma_wait3A_40] : memref<768x128xf32, #tpu.memory_space<vmem>> -> memref<96x128xf32, #tpu.memory_space<vmem>>
    %dma_wait3A_42 = arith.constant 0 : i32
    %dma_wait3A_43 = arith.constant 0 : i32
    %dma_wait3A_44 = tpu.memref_slice %arg2[%dma_wait3A_42, %dma_wait3A_43] : memref<1000000x128xf32, #tpu.memory_space<hbm>> -> memref<96x128xf32, #tpu.memory_space<hbm>>
    tpu.wait_dma2 semaphore(%arg10 : memref<!tpu.dma_semaphore, #tpu.memory_space<semaphore_mem>>) src(%dma_wait3A_44 : memref<96x128xf32, #tpu.memory_space<hbm>>) dst(%dma_wait3A_41 : memref<96x128xf32, #tpu.memory_space<vmem>>)
    %dma_wait3A_45 = arith.constant 0 : i32
    %dma_wait3A_46 = arith.constant 0 : i32
    %dma_wait3A_47 = tpu.memref_slice %arg6[%dma_wait3A_45, %dma_wait3A_46] : memref<768x128xf32, #tpu.memory_space<vmem>> -> memref<96x128xf32, #tpu.memory_space<vmem>>
    %dma_wait3A_48 = arith.constant 0 : i32
    %dma_wait3A_49 = arith.constant 0 : i32
    %dma_wait3A_50 = tpu.memref_slice %arg2[%dma_wait3A_48, %dma_wait3A_49] : memref<1000000x128xf32, #tpu.memory_space<hbm>> -> memref<96x128xf32, #tpu.memory_space<hbm>>
    %dma_wait3A_51 = arith.constant 0 : i32
    %dma_wait3A_52 = arith.constant 0 : i32
    %dma_wait3A_53 = tpu.memref_slice %arg6[%dma_wait3A_51, %dma_wait3A_52] : memref<768x128xf32, #tpu.memory_space<vmem>> -> memref<96x128xf32, #tpu.memory_space<vmem>>
    %dma_wait3A_54 = arith.constant 0 : i32
    %dma_wait3A_55 = arith.constant 0 : i32
    %dma_wait3A_56 = tpu.memref_slice %arg2[%dma_wait3A_54, %dma_wait3A_55] : memref<1000000x128xf32, #tpu.memory_space<hbm>> -> memref<96x128xf32, #tpu.memory_space<hbm>>
    tpu.wait_dma2 semaphore(%arg11 : memref<!tpu.dma_semaphore, #tpu.memory_space<semaphore_mem>>) src(%dma_wait3A_56 : memref<96x128xf32, #tpu.memory_space<hbm>>) dst(%dma_wait3A_53 : memref<96x128xf32, #tpu.memory_space<vmem>>)
    %dma_wait3A_57 = arith.constant 0 : i32
    %dma_wait3A_58 = arith.constant 0 : i32
    %dma_wait3A_59 = tpu.memref_slice %arg6[%dma_wait3A_57, %dma_wait3A_58] : memref<768x128xf32, #tpu.memory_space<vmem>> -> memref<96x128xf32, #tpu.memory_space<vmem>>
    %dma_wait3A_60 = arith.constant 0 : i32
    %dma_wait3A_61 = arith.constant 0 : i32
    %dma_wait3A_62 = tpu.memref_slice %arg2[%dma_wait3A_60, %dma_wait3A_61] : memref<1000000x128xf32, #tpu.memory_space<hbm>> -> memref<96x128xf32, #tpu.memory_space<hbm>>
    %dma_wait3A_63 = arith.constant 0 : i32
    %dma_wait3A_64 = arith.constant 0 : i32
    %dma_wait3A_65 = tpu.memref_slice %arg6[%dma_wait3A_63, %dma_wait3A_64] : memref<768x128xf32, #tpu.memory_space<vmem>> -> memref<96x128xf32, #tpu.memory_space<vmem>>
    %dma_wait3A_66 = arith.constant 0 : i32
    %dma_wait3A_67 = arith.constant 0 : i32
    %dma_wait3A_68 = tpu.memref_slice %arg2[%dma_wait3A_66, %dma_wait3A_67] : memref<1000000x128xf32, #tpu.memory_space<hbm>> -> memref<96x128xf32, #tpu.memory_space<hbm>>
    tpu.wait_dma2 semaphore(%arg12 : memref<!tpu.dma_semaphore, #tpu.memory_space<semaphore_mem>>) src(%dma_wait3A_68 : memref<96x128xf32, #tpu.memory_space<hbm>>) dst(%dma_wait3A_65 : memref<96x128xf32, #tpu.memory_space<vmem>>)
    %dma_wait3A_69 = arith.constant 0 : i32
    %dma_wait3A_70 = arith.constant 0 : i32
    %dma_wait3A_71 = tpu.memref_slice %arg6[%dma_wait3A_69, %dma_wait3A_70] : memref<768x128xf32, #tpu.memory_space<vmem>> -> memref<96x128xf32, #tpu.memory_space<vmem>>
    %dma_wait3A_72 = arith.constant 0 : i32
    %dma_wait3A_73 = arith.constant 0 : i32
    %dma_wait3A_74 = tpu.memref_slice %arg2[%dma_wait3A_72, %dma_wait3A_73] : memref<1000000x128xf32, #tpu.memory_space<hbm>> -> memref<96x128xf32, #tpu.memory_space<hbm>>
    %dma_wait3A_75 = arith.constant 0 : i32
    %dma_wait3A_76 = arith.constant 0 : i32
    %dma_wait3A_77 = tpu.memref_slice %arg6[%dma_wait3A_75, %dma_wait3A_76] : memref<768x128xf32, #tpu.memory_space<vmem>> -> memref<96x128xf32, #tpu.memory_space<vmem>>
    %dma_wait3A_78 = arith.constant 0 : i32
    %dma_wait3A_79 = arith.constant 0 : i32
    %dma_wait3A_80 = tpu.memref_slice %arg2[%dma_wait3A_78, %dma_wait3A_79] : memref<1000000x128xf32, #tpu.memory_space<hbm>> -> memref<96x128xf32, #tpu.memory_space<hbm>>
    tpu.wait_dma2 semaphore(%arg13 : memref<!tpu.dma_semaphore, #tpu.memory_space<semaphore_mem>>) src(%dma_wait3A_80 : memref<96x128xf32, #tpu.memory_space<hbm>>) dst(%dma_wait3A_77 : memref<96x128xf32, #tpu.memory_space<vmem>>)
    %dma_wait3A_81 = arith.constant 0 : i32
    %dma_wait3A_82 = arith.constant 0 : i32
    %dma_wait3A_83 = tpu.memref_slice %arg6[%dma_wait3A_81, %dma_wait3A_82] : memref<768x128xf32, #tpu.memory_space<vmem>> -> memref<96x128xf32, #tpu.memory_space<vmem>>
    %dma_wait3A_84 = arith.constant 0 : i32
    %dma_wait3A_85 = arith.constant 0 : i32
    %dma_wait3A_86 = tpu.memref_slice %arg2[%dma_wait3A_84, %dma_wait3A_85] : memref<1000000x128xf32, #tpu.memory_space<hbm>> -> memref<96x128xf32, #tpu.memory_space<hbm>>
    %dma_wait3A_87 = arith.constant 0 : i32
    %dma_wait3A_88 = arith.constant 0 : i32
    %dma_wait3A_89 = tpu.memref_slice %arg6[%dma_wait3A_87, %dma_wait3A_88] : memref<768x128xf32, #tpu.memory_space<vmem>> -> memref<96x128xf32, #tpu.memory_space<vmem>>
    %dma_wait3A_90 = arith.constant 0 : i32
    %dma_wait3A_91 = arith.constant 0 : i32
    %dma_wait3A_92 = tpu.memref_slice %arg2[%dma_wait3A_90, %dma_wait3A_91] : memref<1000000x128xf32, #tpu.memory_space<hbm>> -> memref<96x128xf32, #tpu.memory_space<hbm>>
    tpu.wait_dma2 semaphore(%arg14 : memref<!tpu.dma_semaphore, #tpu.memory_space<semaphore_mem>>) src(%dma_wait3A_92 : memref<96x128xf32, #tpu.memory_space<hbm>>) dst(%dma_wait3A_89 : memref<96x128xf32, #tpu.memory_space<vmem>>)
    %dma_wait3A_93 = arith.constant 0 : i32
    %dma_wait3A_94 = arith.constant 0 : i32
    %dma_wait3A_95 = tpu.memref_slice %arg6[%dma_wait3A_93, %dma_wait3A_94] : memref<768x128xf32, #tpu.memory_space<vmem>> -> memref<96x128xf32, #tpu.memory_space<vmem>>
    %dma_wait3A_96 = arith.constant 0 : i32
    %dma_wait3A_97 = arith.constant 0 : i32
    %dma_wait3A_98 = tpu.memref_slice %arg2[%dma_wait3A_96, %dma_wait3A_97] : memref<1000000x128xf32, #tpu.memory_space<hbm>> -> memref<96x128xf32, #tpu.memory_space<hbm>>
    %dma_wait3A_99 = arith.constant 0 : i32
    %dma_wait3A_100 = arith.constant 0 : i32
    %dma_wait3A_101 = tpu.memref_slice %arg6[%dma_wait3A_99, %dma_wait3A_100] : memref<768x128xf32, #tpu.memory_space<vmem>> -> memref<96x128xf32, #tpu.memory_space<vmem>>
    %dma_wait3A_102 = arith.constant 0 : i32
    %dma_wait3A_103 = arith.constant 0 : i32
    %dma_wait3A_104 = tpu.memref_slice %arg2[%dma_wait3A_102, %dma_wait3A_103] : memref<1000000x128xf32, #tpu.memory_space<hbm>> -> memref<96x128xf32, #tpu.memory_space<hbm>>
    tpu.wait_dma2 semaphore(%arg15 : memref<!tpu.dma_semaphore, #tpu.memory_space<semaphore_mem>>) src(%dma_wait3A_104 : memref<96x128xf32, #tpu.memory_space<hbm>>) dst(%dma_wait3A_101 : memref<96x128xf32, #tpu.memory_space<vmem>>)
    %add3A_105 = arith.constant 0 : i32
    %add3A_106 = arith.addi %mul3A_2, %add3A_105 : i32
    "tpu.region"() ({
      %run_scoped3A = tpu.sem_alloc : memref<!tpu.dma_semaphore, #tpu.memory_space<semaphore_mem>>
      %dma_start3A_210 = arith.constant 0 : i32
      %dma_start3A_211 = tpu.memref_slice %arg4[%add3A_106, %dma_start3A_210] : memref<49152x128xf32, #tpu.memory_space<hbm>> -> memref<768x128xf32, #tpu.memory_space<hbm>>
      %dma_start3A_212 = arith.constant 0 : i32
      %dma_start3A_213 = tpu.memref_slice %arg4[%add3A_106, %dma_start3A_212] : memref<49152x128xf32, #tpu.memory_space<hbm>> -> memref<768x128xf32, #tpu.memory_space<hbm>>
      tpu.enqueue_dma source(%arg6 : memref<768x128xf32, #tpu.memory_space<vmem>>) target(%dma_start3A_213 : memref<768x128xf32, #tpu.memory_space<hbm>>) target_semaphore(%run_scoped3A : memref<!tpu.dma_semaphore, #tpu.memory_space<semaphore_mem>>)
      %dma_wait3A_214 = arith.constant 0 : i32
      %dma_wait3A_215 = tpu.memref_slice %arg4[%add3A_106, %dma_wait3A_214] : memref<49152x128xf32, #tpu.memory_space<hbm>> -> memref<768x128xf32, #tpu.memory_space<hbm>>
      %dma_wait3A_216 = arith.constant 0 : i32
      %dma_wait3A_217 = tpu.memref_slice %arg4[%add3A_106, %dma_wait3A_216] : memref<49152x128xf32, #tpu.memory_space<hbm>> -> memref<768x128xf32, #tpu.memory_space<hbm>>
      tpu.wait_dma2 semaphore(%run_scoped3A : memref<!tpu.dma_semaphore, #tpu.memory_space<semaphore_mem>>) src(%arg6 : memref<768x128xf32, #tpu.memory_space<vmem>>) dst(%dma_wait3A_217 : memref<768x128xf32, #tpu.memory_space<hbm>>)
      tpu.yield
    }) : () -> ()
    %scan3A_107 = arith.constant 0 : i32
    %scan3A_108 = arith.constant 48 : i32
    %scan3A_109 = arith.addi %scan3A_107, %scan3A_108 : i32
    %scan3A_110 = arith.constant 1 : i32
    scf.for %scan3A_210 = %scan3A_107 to %scan3A_109 step %scan3A_110  : i32 {
      %mul3A_211 = arith.constant 16 : i32
      %mul3A_212 = arith.muli %scan3A_210, %mul3A_211 : i32
      %add3A_213 = arith.constant 0 : i32
      %add3A_214 = arith.addi %add3A_213, %mul3A_212 : i32
      %add3A_215 = arith.constant 768 : i32
      %add3A_216 = arith.addi %add3A_215, %add3A_214 : i32
      %get3A = arith.index_cast %add3A_216 : i32 to index
      %get3A_217 = tpu.vector_load %arg5[%get3A] {strides = array<i32>} : memref<1536xi32, #tpu.memory_space<vmem>>, vector<16xi32>,
      %get3A_218 = vector.shape_cast %get3A_217 : vector<16xi32> to vector<16xi32>
      %slice3A = vector.extract_strided_slice %get3A_218 {offsets = [0], sizes = [1], strides = [1]} : vector<16xi32> to vector<1xi32>
      %squeeze3A = vector.extract %slice3A[0] : i32 from vector<1xi32>
      %add3A_219 = arith.constant 0 : i32
      %add3A_220 = arith.addi %add3A_214, %add3A_219 : i32
      %dma_start3A_221 = arith.constant 0 : i32
      %dma_start3A_222 = tpu.memref_slice %arg6[%add3A_220, %dma_start3A_221] : memref<768x128xf32, #tpu.memory_space<vmem>> -> memref<1x128xf32, #tpu.memory_space<vmem>>
      %dma_start3A_223 = arith.constant 0 : i32
      %dma_start3A_224 = tpu.memref_slice %arg2[%squeeze3A, %dma_start3A_223] : memref<1000000x128xf32, #tpu.memory_space<hbm>> -> memref<1x128xf32, #tpu.memory_space<hbm>>
      %dma_start3A_225 = arith.constant 0 : i32
      %dma_start3A_226 = tpu.memref_slice %arg6[%add3A_220, %dma_start3A_225] : memref<768x128xf32, #tpu.memory_space<vmem>> -> memref<1x128xf32, #tpu.memory_space<vmem>>
      %dma_start3A_227 = arith.constant 0 : i32
      %dma_start3A_228 = tpu.memref_slice %arg2[%squeeze3A, %dma_start3A_227] : memref<1000000x128xf32, #tpu.memory_space<hbm>> -> memref<1x128xf32, #tpu.memory_space<hbm>>
      tpu.enqueue_dma source(%dma_start3A_228 : memref<1x128xf32, #tpu.memory_space<hbm>>) target(%dma_start3A_226 : memref<1x128xf32, #tpu.memory_space<vmem>>) target_semaphore(%arg8 : memref<!tpu.dma_semaphore, #tpu.memory_space<semaphore_mem>>)
      %slice3A_229 = vector.extract_strided_slice %get3A_218 {offsets = [1], sizes = [1], strides = [1]} : vector<16xi32> to vector<1xi32>
      %squeeze3A_230 = vector.extract %slice3A_229[0] : i32 from vector<1xi32>
      %add3A_231 = arith.constant 1 : i32
      %add3A_232 = arith.addi %add3A_214, %add3A_231 : i32
      %dma_start3A_233 = arith.constant 0 : i32
      %dma_start3A_234 = tpu.memref_slice %arg6[%add3A_232, %dma_start3A_233] : memref<768x128xf32, #tpu.memory_space<vmem>> -> memref<1x128xf32, #tpu.memory_space<vmem>>
      %dma_start3A_235 = arith.constant 0 : i32
      %dma_start3A_236 = tpu.memref_slice %arg2[%squeeze3A_230, %dma_start3A_235] : memref<1000000x128xf32, #tpu.memory_space<hbm>> -> memref<1x128xf32, #tpu.memory_space<hbm>>
      %dma_start3A_237 = arith.constant 0 : i32
      %dma_start3A_238 = tpu.memref_slice %arg6[%add3A_232, %dma_start3A_237] : memref<768x128xf32, #tpu.memory_space<vmem>> -> memref<1x128xf32, #tpu.memory_space<vmem>>
      %dma_start3A_239 = arith.constant 0 : i32
      %dma_start3A_240 = tpu.memref_slice %arg2[%squeeze3A_230, %dma_start3A_239] : memref<1000000x128xf32, #tpu.memory_space<hbm>> -> memref<1x128xf32, #tpu.memory_space<hbm>>
      tpu.enqueue_dma source(%dma_start3A_240 : memref<1x128xf32, #tpu.memory_space<hbm>>) target(%dma_start3A_238 : memref<1x128xf32, #tpu.memory_space<vmem>>) target_semaphore(%arg9 : memref<!tpu.dma_semaphore, #tpu.memory_space<semaphore_mem>>)
      %slice3A_241 = vector.extract_strided_slice %get3A_218 {offsets = [2], sizes = [1], strides = [1]} : vector<16xi32> to vector<1xi32>
      %squeeze3A_242 = vector.extract %slice3A_241[0] : i32 from vector<1xi32>
      %add3A_243 = arith.constant 2 : i32
      %add3A_244 = arith.addi %add3A_214, %add3A_243 : i32
      %dma_start3A_245 = arith.constant 0 : i32
      %dma_start3A_246 = tpu.memref_slice %arg6[%add3A_244, %dma_start3A_245] : memref<768x128xf32, #tpu.memory_space<vmem>> -> memref<1x128xf32, #tpu.memory_space<vmem>>
      %dma_start3A_247 = arith.constant 0 : i32
      %dma_start3A_248 = tpu.memref_slice %arg2[%squeeze3A_242, %dma_start3A_247] : memref<1000000x128xf32, #tpu.memory_space<hbm>> -> memref<1x128xf32, #tpu.memory_space<hbm>>
      %dma_start3A_249 = arith.constant 0 : i32
      %dma_start3A_250 = tpu.memref_slice %arg6[%add3A_244, %dma_start3A_249] : memref<768x128xf32, #tpu.memory_space<vmem>> -> memref<1x128xf32, #tpu.memory_space<vmem>>
      %dma_start3A_251 = arith.constant 0 : i32
      %dma_start3A_252 = tpu.memref_slice %arg2[%squeeze3A_242, %dma_start3A_251] : memref<1000000x128xf32, #tpu.memory_space<hbm>> -> memref<1x128xf32, #tpu.memory_space<hbm>>
      tpu.enqueue_dma source(%dma_start3A_252 : memref<1x128xf32, #tpu.memory_space<hbm>>) target(%dma_start3A_250 : memref<1x128xf32, #tpu.memory_space<vmem>>) target_semaphore(%arg10 : memref<!tpu.dma_semaphore, #tpu.memory_space<semaphore_mem>>)
      %slice3A_253 = vector.extract_strided_slice %get3A_218 {offsets = [3], sizes = [1], strides = [1]} : vector<16xi32> to vector<1xi32>
      %squeeze3A_254 = vector.extract %slice3A_253[0] : i32 from vector<1xi32>
      %add3A_255 = arith.constant 3 : i32
      %add3A_256 = arith.addi %add3A_214, %add3A_255 : i32
      %dma_start3A_257 = arith.constant 0 : i32
      %dma_start3A_258 = tpu.memref_slice %arg6[%add3A_256, %dma_start3A_257] : memref<768x128xf32, #tpu.memory_space<vmem>> -> memref<1x128xf32, #tpu.memory_space<vmem>>
      %dma_start3A_259 = arith.constant 0 : i32
      %dma_start3A_260 = tpu.memref_slice %arg2[%squeeze3A_254, %dma_start3A_259] : memref<1000000x128xf32, #tpu.memory_space<hbm>> -> memref<1x128xf32, #tpu.memory_space<hbm>>
      %dma_start3A_261 = arith.constant 0 : i32
      %dma_start3A_262 = tpu.memref_slice %arg6[%add3A_256, %dma_start3A_261] : memref<768x128xf32, #tpu.memory_space<vmem>> -> memref<1x128xf32, #tpu.memory_space<vmem>>
      %dma_start3A_263 = arith.constant 0 : i32
      %dma_start3A_264 = tpu.memref_slice %arg2[%squeeze3A_254, %dma_start3A_263] : memref<1000000x128xf32, #tpu.memory_space<hbm>> -> memref<1x128xf32, #tpu.memory_space<hbm>>
      tpu.enqueue_dma source(%dma_start3A_264 : memref<1x128xf32, #tpu.memory_space<hbm>>) target(%dma_start3A_262 : memref<1x128xf32, #tpu.memory_space<vmem>>) target_semaphore(%arg11 : memref<!tpu.dma_semaphore, #tpu.memory_space<semaphore_mem>>)
      %slice3A_265 = vector.extract_strided_slice %get3A_218 {offsets = [4], sizes = [1], strides = [1]} : vector<16xi32> to vector<1xi32>
      %squeeze3A_266 = vector.extract %slice3A_265[0] : i32 from vector<1xi32>
      %add3A_267 = arith.constant 4 : i32
      %add3A_268 = arith.addi %add3A_214, %add3A_267 : i32
      %dma_start3A_269 = arith.constant 0 : i32
      %dma_start3A_270 = tpu.memref_slice %arg6[%add3A_268, %dma_start3A_269] : memref<768x128xf32, #tpu.memory_space<vmem>> -> memref<1x128xf32, #tpu.memory_space<vmem>>
      %dma_start3A_271 = arith.constant 0 : i32
      %dma_start3A_272 = tpu.memref_slice %arg2[%squeeze3A_266, %dma_start3A_271] : memref<1000000x128xf32, #tpu.memory_space<hbm>> -> memref<1x128xf32, #tpu.memory_space<hbm>>
      %dma_start3A_273 = arith.constant 0 : i32
      %dma_start3A_274 = tpu.memref_slice %arg6[%add3A_268, %dma_start3A_273] : memref<768x128xf32, #tpu.memory_space<vmem>> -> memref<1x128xf32, #tpu.memory_space<vmem>>
      %dma_start3A_275 = arith.constant 0 : i32
      %dma_start3A_276 = tpu.memref_slice %arg2[%squeeze3A_266, %dma_start3A_275] : memref<1000000x128xf32, #tpu.memory_space<hbm>> -> memref<1x128xf32, #tpu.memory_space<hbm>>
      tpu.enqueue_dma source(%dma_start3A_276 : memref<1x128xf32, #tpu.memory_space<hbm>>) target(%dma_start3A_274 : memref<1x128xf32, #tpu.memory_space<vmem>>) target_semaphore(%arg12 : memref<!tpu.dma_semaphore, #tpu.memory_space<semaphore_mem>>)
      %slice3A_277 = vector.extract_strided_slice %get3A_218 {offsets = [5], sizes = [1], strides = [1]} : vector<16xi32> to vector<1xi32>
      %squeeze3A_278 = vector.extract %slice3A_277[0] : i32 from vector<1xi32>
      %add3A_279 = arith.constant 5 : i32
      %add3A_280 = arith.addi %add3A_214, %add3A_279 : i32
      %dma_start3A_281 = arith.constant 0 : i32
      %dma_start3A_282 = tpu.memref_slice %arg6[%add3A_280, %dma_start3A_281] : memref<768x128xf32, #tpu.memory_space<vmem>> -> memref<1x128xf32, #tpu.memory_space<vmem>>
      %dma_start3A_283 = arith.constant 0 : i32
      %dma_start3A_284 = tpu.memref_slice %arg2[%squeeze3A_278, %dma_start3A_283] : memref<1000000x128xf32, #tpu.memory_space<hbm>> -> memref<1x128xf32, #tpu.memory_space<hbm>>
      %dma_start3A_285 = arith.constant 0 : i32
      %dma_start3A_286 = tpu.memref_slice %arg6[%add3A_280, %dma_start3A_285] : memref<768x128xf32, #tpu.memory_space<vmem>> -> memref<1x128xf32, #tpu.memory_space<vmem>>
      %dma_start3A_287 = arith.constant 0 : i32
      %dma_start3A_288 = tpu.memref_slice %arg2[%squeeze3A_278, %dma_start3A_287] : memref<1000000x128xf32, #tpu.memory_space<hbm>> -> memref<1x128xf32, #tpu.memory_space<hbm>>
      tpu.enqueue_dma source(%dma_start3A_288 : memref<1x128xf32, #tpu.memory_space<hbm>>) target(%dma_start3A_286 : memref<1x128xf32, #tpu.memory_space<vmem>>) target_semaphore(%arg13 : memref<!tpu.dma_semaphore, #tpu.memory_space<semaphore_mem>>)
      %slice3A_289 = vector.extract_strided_slice %get3A_218 {offsets = [6], sizes = [1], strides = [1]} : vector<16xi32> to vector<1xi32>
      %squeeze3A_290 = vector.extract %slice3A_289[0] : i32 from vector<1xi32>
      %add3A_291 = arith.constant 6 : i32
      %add3A_292 = arith.addi %add3A_214, %add3A_291 : i32
      %dma_start3A_293 = arith.constant 0 : i32
      %dma_start3A_294 = tpu.memref_slice %arg6[%add3A_292, %dma_start3A_293] : memref<768x128xf32, #tpu.memory_space<vmem>> -> memref<1x128xf32, #tpu.memory_space<vmem>>
      %dma_start3A_295 = arith.constant 0 : i32
      %dma_start3A_296 = tpu.memref_slice %arg2[%squeeze3A_290, %dma_start3A_295] : memref<1000000x128xf32, #tpu.memory_space<hbm>> -> memref<1x128xf32, #tpu.memory_space<hbm>>
      %dma_start3A_297 = arith.constant 0 : i32
      %dma_start3A_298 = tpu.memref_slice %arg6[%add3A_292, %dma_start3A_297] : memref<768x128xf32, #tpu.memory_space<vmem>> -> memref<1x128xf32, #tpu.memory_space<vmem>>
      %dma_start3A_299 = arith.constant 0 : i32
      %dma_start3A_300 = tpu.memref_slice %arg2[%squeeze3A_290, %dma_start3A_299] : memref<1000000x128xf32, #tpu.memory_space<hbm>> -> memref<1x128xf32, #tpu.memory_space<hbm>>
      tpu.enqueue_dma source(%dma_start3A_300 : memref<1x128xf32, #tpu.memory_space<hbm>>) target(%dma_start3A_298 : memref<1x128xf32, #tpu.memory_space<vmem>>) target_semaphore(%arg14 : memref<!tpu.dma_semaphore, #tpu.memory_space<semaphore_mem>>)
      %slice3A_301 = vector.extract_strided_slice %get3A_218 {offsets = [7], sizes = [1], strides = [1]} : vector<16xi32> to vector<1xi32>
      %squeeze3A_302 = vector.extract %slice3A_301[0] : i32 from vector<1xi32>
      %add3A_303 = arith.constant 7 : i32
      %add3A_304 = arith.addi %add3A_214, %add3A_303 : i32
      %dma_start3A_305 = arith.constant 0 : i32
      %dma_start3A_306 = tpu.memref_slice %arg6[%add3A_304, %dma_start3A_305] : memref<768x128xf32, #tpu.memory_space<vmem>> -> memref<1x128xf32, #tpu.memory_space<vmem>>
      %dma_start3A_307 = arith.constant 0 : i32
      %dma_start3A_308 = tpu.memref_slice %arg2[%squeeze3A_302, %dma_start3A_307] : memref<1000000x128xf32, #tpu.memory_space<hbm>> -> memref<1x128xf32, #tpu.memory_space<hbm>>
      %dma_start3A_309 = arith.constant 0 : i32
      %dma_start3A_310 = tpu.memref_slice %arg6[%add3A_304, %dma_start3A_309] : memref<768x128xf32, #tpu.memory_space<vmem>> -> memref<1x128xf32, #tpu.memory_space<vmem>>
      %dma_start3A_311 = arith.constant 0 : i32
      %dma_start3A_312 = tpu.memref_slice %arg2[%squeeze3A_302, %dma_start3A_311] : memref<1000000x128xf32, #tpu.memory_space<hbm>> -> memref<1x128xf32, #tpu.memory_space<hbm>>
      tpu.enqueue_dma source(%dma_start3A_312 : memref<1x128xf32, #tpu.memory_space<hbm>>) target(%dma_start3A_310 : memref<1x128xf32, #tpu.memory_space<vmem>>) target_semaphore(%arg15 : memref<!tpu.dma_semaphore, #tpu.memory_space<semaphore_mem>>)
      %slice3A_313 = vector.extract_strided_slice %get3A_218 {offsets = [8], sizes = [1], strides = [1]} : vector<16xi32> to vector<1xi32>
      %squeeze3A_314 = vector.extract %slice3A_313[0] : i32 from vector<1xi32>
      %add3A_315 = arith.constant 8 : i32
      %add3A_316 = arith.addi %add3A_214, %add3A_315 : i32
      %dma_start3A_317 = arith.constant 0 : i32
      %dma_start3A_318 = tpu.memref_slice %arg6[%add3A_316, %dma_start3A_317] : memref<768x128xf32, #tpu.memory_space<vmem>> -> memref<1x128xf32, #tpu.memory_space<vmem>>
      %dma_start3A_319 = arith.constant 0 : i32
      %dma_start3A_320 = tpu.memref_slice %arg2[%squeeze3A_314, %dma_start3A_319] : memref<1000000x128xf32, #tpu.memory_space<hbm>> -> memref<1x128xf32, #tpu.memory_space<hbm>>
      %dma_start3A_321 = arith.constant 0 : i32
      %dma_start3A_322 = tpu.memref_slice %arg6[%add3A_316, %dma_start3A_321] : memref<768x128xf32, #tpu.memory_space<vmem>> -> memref<1x128xf32, #tpu.memory_space<vmem>>
      %dma_start3A_323 = arith.constant 0 : i32
      %dma_start3A_324 = tpu.memref_slice %arg2[%squeeze3A_314, %dma_start3A_323] : memref<1000000x128xf32, #tpu.memory_space<hbm>> -> memref<1x128xf32, #tpu.memory_space<hbm>>
      tpu.enqueue_dma source(%dma_start3A_324 : memref<1x128xf32, #tpu.memory_space<hbm>>) target(%dma_start3A_322 : memref<1x128xf32, #tpu.memory_space<vmem>>) target_semaphore(%arg8 : memref<!tpu.dma_semaphore, #tpu.memory_space<semaphore_mem>>)
      %slice3A_325 = vector.extract_strided_slice %get3A_218 {offsets = [9], sizes = [1], strides = [1]} : vector<16xi32> to vector<1xi32>
      %squeeze3A_326 = vector.extract %slice3A_325[0] : i32 from vector<1xi32>
      %add3A_327 = arith.constant 9 : i32
      %add3A_328 = arith.addi %add3A_214, %add3A_327 : i32
      %dma_start3A_329 = arith.constant 0 : i32
      %dma_start3A_330 = tpu.memref_slice %arg6[%add3A_328, %dma_start3A_329] : memref<768x128xf32, #tpu.memory_space<vmem>> -> memref<1x128xf32, #tpu.memory_space<vmem>>
      %dma_start3A_331 = arith.constant 0 : i32
      %dma_start3A_332 = tpu.memref_slice %arg2[%squeeze3A_326, %dma_start3A_331] : memref<1000000x128xf32, #tpu.memory_space<hbm>> -> memref<1x128xf32, #tpu.memory_space<hbm>>
      %dma_start3A_333 = arith.constant 0 : i32
      %dma_start3A_334 = tpu.memref_slice %arg6[%add3A_328, %dma_start3A_333] : memref<768x128xf32, #tpu.memory_space<vmem>> -> memref<1x128xf32, #tpu.memory_space<vmem>>
      %dma_start3A_335 = arith.constant 0 : i32
      %dma_start3A_336 = tpu.memref_slice %arg2[%squeeze3A_326, %dma_start3A_335] : memref<1000000x128xf32, #tpu.memory_space<hbm>> -> memref<1x128xf32, #tpu.memory_space<hbm>>
      tpu.enqueue_dma source(%dma_start3A_336 : memref<1x128xf32, #tpu.memory_space<hbm>>) target(%dma_start3A_334 : memref<1x128xf32, #tpu.memory_space<vmem>>) target_semaphore(%arg9 : memref<!tpu.dma_semaphore, #tpu.memory_space<semaphore_mem>>)
      %slice3A_337 = vector.extract_strided_slice %get3A_218 {offsets = [10], sizes = [1], strides = [1]} : vector<16xi32> to vector<1xi32>
      %squeeze3A_338 = vector.extract %slice3A_337[0] : i32 from vector<1xi32>
      %add3A_339 = arith.constant 10 : i32
      %add3A_340 = arith.addi %add3A_214, %add3A_339 : i32
      %dma_start3A_341 = arith.constant 0 : i32
      %dma_start3A_342 = tpu.memref_slice %arg6[%add3A_340, %dma_start3A_341] : memref<768x128xf32, #tpu.memory_space<vmem>> -> memref<1x128xf32, #tpu.memory_space<vmem>>
      %dma_start3A_343 = arith.constant 0 : i32
      %dma_start3A_344 = tpu.memref_slice %arg2[%squeeze3A_338, %dma_start3A_343] : memref<1000000x128xf32, #tpu.memory_space<hbm>> -> memref<1x128xf32, #tpu.memory_space<hbm>>
      %dma_start3A_345 = arith.constant 0 : i32
      %dma_start3A_346 = tpu.memref_slice %arg6[%add3A_340, %dma_start3A_345] : memref<768x128xf32, #tpu.memory_space<vmem>> -> memref<1x128xf32, #tpu.memory_space<vmem>>
      %dma_start3A_347 = arith.constant 0 : i32
      %dma_start3A_348 = tpu.memref_slice %arg2[%squeeze3A_338, %dma_start3A_347] : memref<1000000x128xf32, #tpu.memory_space<hbm>> -> memref<1x128xf32, #tpu.memory_space<hbm>>
      tpu.enqueue_dma source(%dma_start3A_348 : memref<1x128xf32, #tpu.memory_space<hbm>>) target(%dma_start3A_346 : memref<1x128xf32, #tpu.memory_space<vmem>>) target_semaphore(%arg10 : memref<!tpu.dma_semaphore, #tpu.memory_space<semaphore_mem>>)
      %slice3A_349 = vector.extract_strided_slice %get3A_218 {offsets = [11], sizes = [1], strides = [1]} : vector<16xi32> to vector<1xi32>
      %squeeze3A_350 = vector.extract %slice3A_349[0] : i32 from vector<1xi32>
      %add3A_351 = arith.constant 11 : i32
      %add3A_352 = arith.addi %add3A_214, %add3A_351 : i32
      %dma_start3A_353 = arith.constant 0 : i32
      %dma_start3A_354 = tpu.memref_slice %arg6[%add3A_352, %dma_start3A_353] : memref<768x128xf32, #tpu.memory_space<vmem>> -> memref<1x128xf32, #tpu.memory_space<vmem>>
      %dma_start3A_355 = arith.constant 0 : i32
      %dma_start3A_356 = tpu.memref_slice %arg2[%squeeze3A_350, %dma_start3A_355] : memref<1000000x128xf32, #tpu.memory_space<hbm>> -> memref<1x128xf32, #tpu.memory_space<hbm>>
      %dma_start3A_357 = arith.constant 0 : i32
      %dma_start3A_358 = tpu.memref_slice %arg6[%add3A_352, %dma_start3A_357] : memref<768x128xf32, #tpu.memory_space<vmem>> -> memref<1x128xf32, #tpu.memory_space<vmem>>
      %dma_start3A_359 = arith.constant 0 : i32
      %dma_start3A_360 = tpu.memref_slice %arg2[%squeeze3A_350, %dma_start3A_359] : memref<1000000x128xf32, #tpu.memory_space<hbm>> -> memref<1x128xf32, #tpu.memory_space<hbm>>
      tpu.enqueue_dma source(%dma_start3A_360 : memref<1x128xf32, #tpu.memory_space<hbm>>) target(%dma_start3A_358 : memref<1x128xf32, #tpu.memory_space<vmem>>) target_semaphore(%arg11 : memref<!tpu.dma_semaphore, #tpu.memory_space<semaphore_mem>>)
      %slice3A_361 = vector.extract_strided_slice %get3A_218 {offsets = [12], sizes = [1], strides = [1]} : vector<16xi32> to vector<1xi32>
      %squeeze3A_362 = vector.extract %slice3A_361[0] : i32 from vector<1xi32>
      %add3A_363 = arith.constant 12 : i32
      %add3A_364 = arith.addi %add3A_214, %add3A_363 : i32
      %dma_start3A_365 = arith.constant 0 : i32
      %dma_start3A_366 = tpu.memref_slice %arg6[%add3A_364, %dma_start3A_365] : memref<768x128xf32, #tpu.memory_space<vmem>> -> memref<1x128xf32, #tpu.memory_space<vmem>>
      %dma_start3A_367 = arith.constant 0 : i32
      %dma_start3A_368 = tpu.memref_slice %arg2[%squeeze3A_362, %dma_start3A_367] : memref<1000000x128xf32, #tpu.memory_space<hbm>> -> memref<1x128xf32, #tpu.memory_space<hbm>>
      %dma_start3A_369 = arith.constant 0 : i32
      %dma_start3A_370 = tpu.memref_slice %arg6[%add3A_364, %dma_start3A_369] : memref<768x128xf32, #tpu.memory_space<vmem>> -> memref<1x128xf32, #tpu.memory_space<vmem>>
      %dma_start3A_371 = arith.constant 0 : i32
      %dma_start3A_372 = tpu.memref_slice %arg2[%squeeze3A_362, %dma_start3A_371] : memref<1000000x128xf32, #tpu.memory_space<hbm>> -> memref<1x128xf32, #tpu.memory_space<hbm>>
      tpu.enqueue_dma source(%dma_start3A_372 : memref<1x128xf32, #tpu.memory_space<hbm>>) target(%dma_start3A_370 : memref<1x128xf32, #tpu.memory_space<vmem>>) target_semaphore(%arg12 : memref<!tpu.dma_semaphore, #tpu.memory_space<semaphore_mem>>)
      %slice3A_373 = vector.extract_strided_slice %get3A_218 {offsets = [13], sizes = [1], strides = [1]} : vector<16xi32> to vector<1xi32>
      %squeeze3A_374 = vector.extract %slice3A_373[0] : i32 from vector<1xi32>
      %add3A_375 = arith.constant 13 : i32
      %add3A_376 = arith.addi %add3A_214, %add3A_375 : i32
      %dma_start3A_377 = arith.constant 0 : i32
      %dma_start3A_378 = tpu.memref_slice %arg6[%add3A_376, %dma_start3A_377] : memref<768x128xf32, #tpu.memory_space<vmem>> -> memref<1x128xf32, #tpu.memory_space<vmem>>
      %dma_start3A_379 = arith.constant 0 : i32
      %dma_start3A_380 = tpu.memref_slice %arg2[%squeeze3A_374, %dma_start3A_379] : memref<1000000x128xf32, #tpu.memory_space<hbm>> -> memref<1x128xf32, #tpu.memory_space<hbm>>
      %dma_start3A_381 = arith.constant 0 : i32
      %dma_start3A_382 = tpu.memref_slice %arg6[%add3A_376, %dma_start3A_381] : memref<768x128xf32, #tpu.memory_space<vmem>> -> memref<1x128xf32, #tpu.memory_space<vmem>>
      %dma_start3A_383 = arith.constant 0 : i32
      %dma_start3A_384 = tpu.memref_slice %arg2[%squeeze3A_374, %dma_start3A_383] : memref<1000000x128xf32, #tpu.memory_space<hbm>> -> memref<1x128xf32, #tpu.memory_space<hbm>>
      tpu.enqueue_dma source(%dma_start3A_384 : memref<1x128xf32, #tpu.memory_space<hbm>>) target(%dma_start3A_382 : memref<1x128xf32, #tpu.memory_space<vmem>>) target_semaphore(%arg13 : memref<!tpu.dma_semaphore, #tpu.memory_space<semaphore_mem>>)
      %slice3A_385 = vector.extract_strided_slice %get3A_218 {offsets = [14], sizes = [1], strides = [1]} : vector<16xi32> to vector<1xi32>
      %squeeze3A_386 = vector.extract %slice3A_385[0] : i32 from vector<1xi32>
      %add3A_387 = arith.constant 14 : i32
      %add3A_388 = arith.addi %add3A_214, %add3A_387 : i32
      %dma_start3A_389 = arith.constant 0 : i32
      %dma_start3A_390 = tpu.memref_slice %arg6[%add3A_388, %dma_start3A_389] : memref<768x128xf32, #tpu.memory_space<vmem>> -> memref<1x128xf32, #tpu.memory_space<vmem>>
      %dma_start3A_391 = arith.constant 0 : i32
      %dma_start3A_392 = tpu.memref_slice %arg2[%squeeze3A_386, %dma_start3A_391] : memref<1000000x128xf32, #tpu.memory_space<hbm>> -> memref<1x128xf32, #tpu.memory_space<hbm>>
      %dma_start3A_393 = arith.constant 0 : i32
      %dma_start3A_394 = tpu.memref_slice %arg6[%add3A_388, %dma_start3A_393] : memref<768x128xf32, #tpu.memory_space<vmem>> -> memref<1x128xf32, #tpu.memory_space<vmem>>
      %dma_start3A_395 = arith.constant 0 : i32
      %dma_start3A_396 = tpu.memref_slice %arg2[%squeeze3A_386, %dma_start3A_395] : memref<1000000x128xf32, #tpu.memory_space<hbm>> -> memref<1x128xf32, #tpu.memory_space<hbm>>
      tpu.enqueue_dma source(%dma_start3A_396 : memref<1x128xf32, #tpu.memory_space<hbm>>) target(%dma_start3A_394 : memref<1x128xf32, #tpu.memory_space<vmem>>) target_semaphore(%arg14 : memref<!tpu.dma_semaphore, #tpu.memory_space<semaphore_mem>>)
      %slice3A_397 = vector.extract_strided_slice %get3A_218 {offsets = [15], sizes = [1], strides = [1]} : vector<16xi32> to vector<1xi32>
      %squeeze3A_398 = vector.extract %slice3A_397[0] : i32 from vector<1xi32>
      %add3A_399 = arith.constant 15 : i32
      %add3A_400 = arith.addi %add3A_214, %add3A_399 : i32
      %dma_start3A_401 = arith.constant 0 : i32
      %dma_start3A_402 = tpu.memref_slice %arg6[%add3A_400, %dma_start3A_401] : memref<768x128xf32, #tpu.memory_space<vmem>> -> memref<1x128xf32, #tpu.memory_space<vmem>>
      %dma_start3A_403 = arith.constant 0 : i32
      %dma_start3A_404 = tpu.memref_slice %arg2[%squeeze3A_398, %dma_start3A_403] : memref<1000000x128xf32, #tpu.memory_space<hbm>> -> memref<1x128xf32, #tpu.memory_space<hbm>>
      %dma_start3A_405 = arith.constant 0 : i32
      %dma_start3A_406 = tpu.memref_slice %arg6[%add3A_400, %dma_start3A_405] : memref<768x128xf32, #tpu.memory_space<vmem>> -> memref<1x128xf32, #tpu.memory_space<vmem>>
      %dma_start3A_407 = arith.constant 0 : i32
      %dma_start3A_408 = tpu.memref_slice %arg2[%squeeze3A_398, %dma_start3A_407] : memref<1000000x128xf32, #tpu.memory_space<hbm>> -> memref<1x128xf32, #tpu.memory_space<hbm>>
      tpu.enqueue_dma source(%dma_start3A_408 : memref<1x128xf32, #tpu.memory_space<hbm>>) target(%dma_start3A_406 : memref<1x128xf32, #tpu.memory_space<vmem>>) target_semaphore(%arg15 : memref<!tpu.dma_semaphore, #tpu.memory_space<semaphore_mem>>)
    }
    %scan3A_111 = arith.constant 48 : i32
    %dma_wait3A_112 = arith.constant 0 : i32
    %dma_wait3A_113 = arith.constant 0 : i32
    %dma_wait3A_114 = tpu.memref_slice %arg6[%dma_wait3A_112, %dma_wait3A_113] : memref<768x128xf32, #tpu.memory_space<vmem>> -> memref<96x128xf32, #tpu.memory_space<vmem>>
    %dma_wait3A_115 = arith.constant 0 : i32
    %dma_wait3A_116 = arith.constant 0 : i32
    %dma_wait3A_117 = tpu.memref_slice %arg2[%dma_wait3A_115, %dma_wait3A_116] : memref<1000000x128xf32, #tpu.memory_space<hbm>> -> memref<96x128xf32, #tpu.memory_space<hbm>>
    %dma_wait3A_118 = arith.constant 0 : i32
    %dma_wait3A_119 = arith.constant 0 : i32
    %dma_wait3A_120 = tpu.memref_slice %arg6[%dma_wait3A_118, %dma_wait3A_119] : memref<768x128xf32, #tpu.memory_space<vmem>> -> memref<96x128xf32, #tpu.memory_space<vmem>>
    %dma_wait3A_121 = arith.constant 0 : i32
    %dma_wait3A_122 = arith.constant 0 : i32
    %dma_wait3A_123 = tpu.memref_slice %arg2[%dma_wait3A_121, %dma_wait3A_122] : memref<1000000x128xf32, #tpu.memory_space<hbm>> -> memref<96x128xf32, #tpu.memory_space<hbm>>
    tpu.wait_dma2 semaphore(%arg8 : memref<!tpu.dma_semaphore, #tpu.memory_space<semaphore_mem>>) src(%dma_wait3A_123 : memref<96x128xf32, #tpu.memory_space<hbm>>) dst(%dma_wait3A_120 : memref<96x128xf32, #tpu.memory_space<vmem>>)
    %dma_wait3A_124 = arith.constant 0 : i32
    %dma_wait3A_125 = arith.constant 0 : i32
    %dma_wait3A_126 = tpu.memref_slice %arg6[%dma_wait3A_124, %dma_wait3A_125] : memref<768x128xf32, #tpu.memory_space<vmem>> -> memref<96x128xf32, #tpu.memory_space<vmem>>
    %dma_wait3A_127 = arith.constant 0 : i32
    %dma_wait3A_128 = arith.constant 0 : i32
    %dma_wait3A_129 = tpu.memref_slice %arg2[%dma_wait3A_127, %dma_wait3A_128] : memref<1000000x128xf32, #tpu.memory_space<hbm>> -> memref<96x128xf32, #tpu.memory_space<hbm>>
    %dma_wait3A_130 = arith.constant 0 : i32
    %dma_wait3A_131 = arith.constant 0 : i32
    %dma_wait3A_132 = tpu.memref_slice %arg6[%dma_wait3A_130, %dma_wait3A_131] : memref<768x128xf32, #tpu.memory_space<vmem>> -> memref<96x128xf32, #tpu.memory_space<vmem>>
    %dma_wait3A_133 = arith.constant 0 : i32
    %dma_wait3A_134 = arith.constant 0 : i32
    %dma_wait3A_135 = tpu.memref_slice %arg2[%dma_wait3A_133, %dma_wait3A_134] : memref<1000000x128xf32, #tpu.memory_space<hbm>> -> memref<96x128xf32, #tpu.memory_space<hbm>>
    tpu.wait_dma2 semaphore(%arg9 : memref<!tpu.dma_semaphore, #tpu.memory_space<semaphore_mem>>) src(%dma_wait3A_135 : memref<96x128xf32, #tpu.memory_space<hbm>>) dst(%dma_wait3A_132 : memref<96x128xf32, #tpu.memory_space<vmem>>)
    %dma_wait3A_136 = arith.constant 0 : i32
    %dma_wait3A_137 = arith.constant 0 : i32
    %dma_wait3A_138 = tpu.memref_slice %arg6[%dma_wait3A_136, %dma_wait3A_137] : memref<768x128xf32, #tpu.memory_space<vmem>> -> memref<96x128xf32, #tpu.memory_space<vmem>>
    %dma_wait3A_139 = arith.constant 0 : i32
    %dma_wait3A_140 = arith.constant 0 : i32
    %dma_wait3A_141 = tpu.memref_slice %arg2[%dma_wait3A_139, %dma_wait3A_140] : memref<1000000x128xf32, #tpu.memory_space<hbm>> -> memref<96x128xf32, #tpu.memory_space<hbm>>
    %dma_wait3A_142 = arith.constant 0 : i32
    %dma_wait3A_143 = arith.constant 0 : i32
    %dma_wait3A_144 = tpu.memref_slice %arg6[%dma_wait3A_142, %dma_wait3A_143] : memref<768x128xf32, #tpu.memory_space<vmem>> -> memref<96x128xf32, #tpu.memory_space<vmem>>
    %dma_wait3A_145 = arith.constant 0 : i32
    %dma_wait3A_146 = arith.constant 0 : i32
    %dma_wait3A_147 = tpu.memref_slice %arg2[%dma_wait3A_145, %dma_wait3A_146] : memref<1000000x128xf32, #tpu.memory_space<hbm>> -> memref<96x128xf32, #tpu.memory_space<hbm>>
    tpu.wait_dma2 semaphore(%arg10 : memref<!tpu.dma_semaphore, #tpu.memory_space<semaphore_mem>>) src(%dma_wait3A_147 : memref<96x128xf32, #tpu.memory_space<hbm>>) dst(%dma_wait3A_144 : memref<96x128xf32, #tpu.memory_space<vmem>>)
    %dma_wait3A_148 = arith.constant 0 : i32
    %dma_wait3A_149 = arith.constant 0 : i32
    %dma_wait3A_150 = tpu.memref_slice %arg6[%dma_wait3A_148, %dma_wait3A_149] : memref<768x128xf32, #tpu.memory_space<vmem>> -> memref<96x128xf32, #tpu.memory_space<vmem>>
    %dma_wait3A_151 = arith.constant 0 : i32
    %dma_wait3A_152 = arith.constant 0 : i32
    %dma_wait3A_153 = tpu.memref_slice %arg2[%dma_wait3A_151, %dma_wait3A_152] : memref<1000000x128xf32, #tpu.memory_space<hbm>> -> memref<96x128xf32, #tpu.memory_space<hbm>>
    %dma_wait3A_154 = arith.constant 0 : i32
    %dma_wait3A_155 = arith.constant 0 : i32
    %dma_wait3A_156 = tpu.memref_slice %arg6[%dma_wait3A_154, %dma_wait3A_155] : memref<768x128xf32, #tpu.memory_space<vmem>> -> memref<96x128xf32, #tpu.memory_space<vmem>>
    %dma_wait3A_157 = arith.constant 0 : i32
    %dma_wait3A_158 = arith.constant 0 : i32
    %dma_wait3A_159 = tpu.memref_slice %arg2[%dma_wait3A_157, %dma_wait3A_158] : memref<1000000x128xf32, #tpu.memory_space<hbm>> -> memref<96x128xf32, #tpu.memory_space<hbm>>
    tpu.wait_dma2 semaphore(%arg11 : memref<!tpu.dma_semaphore, #tpu.memory_space<semaphore_mem>>) src(%dma_wait3A_159 : memref<96x128xf32, #tpu.memory_space<hbm>>) dst(%dma_wait3A_156 : memref<96x128xf32, #tpu.memory_space<vmem>>)
    %dma_wait3A_160 = arith.constant 0 : i32
    %dma_wait3A_161 = arith.constant 0 : i32
    %dma_wait3A_162 = tpu.memref_slice %arg6[%dma_wait3A_160, %dma_wait3A_161] : memref<768x128xf32, #tpu.memory_space<vmem>> -> memref<96x128xf32, #tpu.memory_space<vmem>>
    %dma_wait3A_163 = arith.constant 0 : i32
    %dma_wait3A_164 = arith.constant 0 : i32
    %dma_wait3A_165 = tpu.memref_slice %arg2[%dma_wait3A_163, %dma_wait3A_164] : memref<1000000x128xf32, #tpu.memory_space<hbm>> -> memref<96x128xf32, #tpu.memory_space<hbm>>
    %dma_wait3A_166 = arith.constant 0 : i32
    %dma_wait3A_167 = arith.constant 0 : i32
    %dma_wait3A_168 = tpu.memref_slice %arg6[%dma_wait3A_166, %dma_wait3A_167] : memref<768x128xf32, #tpu.memory_space<vmem>> -> memref<96x128xf32, #tpu.memory_space<vmem>>
    %dma_wait3A_169 = arith.constant 0 : i32
    %dma_wait3A_170 = arith.constant 0 : i32
    %dma_wait3A_171 = tpu.memref_slice %arg2[%dma_wait3A_169, %dma_wait3A_170] : memref<1000000x128xf32, #tpu.memory_space<hbm>> -> memref<96x128xf32, #tpu.memory_space<hbm>>
    tpu.wait_dma2 semaphore(%arg12 : memref<!tpu.dma_semaphore, #tpu.memory_space<semaphore_mem>>) src(%dma_wait3A_171 : memref<96x128xf32, #tpu.memory_space<hbm>>) dst(%dma_wait3A_168 : memref<96x128xf32, #tpu.memory_space<vmem>>)
    %dma_wait3A_172 = arith.constant 0 : i32
    %dma_wait3A_173 = arith.constant 0 : i32
    %dma_wait3A_174 = tpu.memref_slice %arg6[%dma_wait3A_172, %dma_wait3A_173] : memref<768x128xf32, #tpu.memory_space<vmem>> -> memref<96x128xf32, #tpu.memory_space<vmem>>
    %dma_wait3A_175 = arith.constant 0 : i32
    %dma_wait3A_176 = arith.constant 0 : i32
    %dma_wait3A_177 = tpu.memref_slice %arg2[%dma_wait3A_175, %dma_wait3A_176] : memref<1000000x128xf32, #tpu.memory_space<hbm>> -> memref<96x128xf32, #tpu.memory_space<hbm>>
    %dma_wait3A_178 = arith.constant 0 : i32
    %dma_wait3A_179 = arith.constant 0 : i32
    %dma_wait3A_180 = tpu.memref_slice %arg6[%dma_wait3A_178, %dma_wait3A_179] : memref<768x128xf32, #tpu.memory_space<vmem>> -> memref<96x128xf32, #tpu.memory_space<vmem>>
    %dma_wait3A_181 = arith.constant 0 : i32
    %dma_wait3A_182 = arith.constant 0 : i32
    %dma_wait3A_183 = tpu.memref_slice %arg2[%dma_wait3A_181, %dma_wait3A_182] : memref<1000000x128xf32, #tpu.memory_space<hbm>> -> memref<96x128xf32, #tpu.memory_space<hbm>>
    tpu.wait_dma2 semaphore(%arg13 : memref<!tpu.dma_semaphore, #tpu.memory_space<semaphore_mem>>) src(%dma_wait3A_183 : memref<96x128xf32, #tpu.memory_space<hbm>>) dst(%dma_wait3A_180 : memref<96x128xf32, #tpu.memory_space<vmem>>)
    %dma_wait3A_184 = arith.constant 0 : i32
    %dma_wait3A_185 = arith.constant 0 : i32
    %dma_wait3A_186 = tpu.memref_slice %arg6[%dma_wait3A_184, %dma_wait3A_185] : memref<768x128xf32, #tpu.memory_space<vmem>> -> memref<96x128xf32, #tpu.memory_space<vmem>>
    %dma_wait3A_187 = arith.constant 0 : i32
    %dma_wait3A_188 = arith.constant 0 : i32
    %dma_wait3A_189 = tpu.memref_slice %arg2[%dma_wait3A_187, %dma_wait3A_188] : memref<1000000x128xf32, #tpu.memory_space<hbm>> -> memref<96x128xf32, #tpu.memory_space<hbm>>
    %dma_wait3A_190 = arith.constant 0 : i32
    %dma_wait3A_191 = arith.constant 0 : i32
    %dma_wait3A_192 = tpu.memref_slice %arg6[%dma_wait3A_190, %dma_wait3A_191] : memref<768x128xf32, #tpu.memory_space<vmem>> -> memref<96x128xf32, #tpu.memory_space<vmem>>
    %dma_wait3A_193 = arith.constant 0 : i32
    %dma_wait3A_194 = arith.constant 0 : i32
    %dma_wait3A_195 = tpu.memref_slice %arg2[%dma_wait3A_193, %dma_wait3A_194] : memref<1000000x128xf32, #tpu.memory_space<hbm>> -> memref<96x128xf32, #tpu.memory_space<hbm>>
    tpu.wait_dma2 semaphore(%arg14 : memref<!tpu.dma_semaphore, #tpu.memory_space<semaphore_mem>>) src(%dma_wait3A_195 : memref<96x128xf32, #tpu.memory_space<hbm>>) dst(%dma_wait3A_192 : memref<96x128xf32, #tpu.memory_space<vmem>>)
    %dma_wait3A_196 = arith.constant 0 : i32
    %dma_wait3A_197 = arith.constant 0 : i32
    %dma_wait3A_198 = tpu.memref_slice %arg6[%dma_wait3A_196, %dma_wait3A_197] : memref<768x128xf32, #tpu.memory_space<vmem>> -> memref<96x128xf32, #tpu.memory_space<vmem>>
    %dma_wait3A_199 = arith.constant 0 : i32
    %dma_wait3A_200 = arith.constant 0 : i32
    %dma_wait3A_201 = tpu.memref_slice %arg2[%dma_wait3A_199, %dma_wait3A_200] : memref<1000000x128xf32, #tpu.memory_space<hbm>> -> memref<96x128xf32, #tpu.memory_space<hbm>>
    %dma_wait3A_202 = arith.constant 0 : i32
    %dma_wait3A_203 = arith.constant 0 : i32
    %dma_wait3A_204 = tpu.memref_slice %arg6[%dma_wait3A_202, %dma_wait3A_203] : memref<768x128xf32, #tpu.memory_space<vmem>> -> memref<96x128xf32, #tpu.memory_space<vmem>>
    %dma_wait3A_205 = arith.constant 0 : i32
    %dma_wait3A_206 = arith.constant 0 : i32
    %dma_wait3A_207 = tpu.memref_slice %arg2[%dma_wait3A_205, %dma_wait3A_206] : memref<1000000x128xf32, #tpu.memory_space<hbm>> -> memref<96x128xf32, #tpu.memory_space<hbm>>
    tpu.wait_dma2 semaphore(%arg15 : memref<!tpu.dma_semaphore, #tpu.memory_space<semaphore_mem>>) src(%dma_wait3A_207 : memref<96x128xf32, #tpu.memory_space<hbm>>) dst(%dma_wait3A_204 : memref<96x128xf32, #tpu.memory_space<vmem>>)
    %add3A_208 = arith.constant 768 : i32
    %add3A_209 = arith.addi %mul3A_2, %add3A_208 : i32
    "tpu.region"() ({
      %run_scoped3A = tpu.sem_alloc : memref<!tpu.dma_semaphore, #tpu.memory_space<semaphore_mem>>
      %dma_start3A_210 = arith.constant 0 : i32
      %dma_start3A_211 = tpu.memref_slice %arg4[%add3A_209, %dma_start3A_210] : memref<49152x128xf32, #tpu.memory_space<hbm>> -> memref<768x128xf32, #tpu.memory_space<hbm>>
      %dma_start3A_212 = arith.constant 0 : i32
      %dma_start3A_213 = tpu.memref_slice %arg4[%add3A_209, %dma_start3A_212] : memref<49152x128xf32, #tpu.memory_space<hbm>> -> memref<768x128xf32, #tpu.memory_space<hbm>>
      tpu.enqueue_dma source(%arg6 : memref<768x128xf32, #tpu.memory_space<vmem>>) target(%dma_start3A_213 : memref<768x128xf32, #tpu.memory_space<hbm>>) target_semaphore(%run_scoped3A : memref<!tpu.dma_semaphore, #tpu.memory_space<semaphore_mem>>)
      %dma_wait3A_214 = arith.constant 0 : i32
      %dma_wait3A_215 = tpu.memref_slice %arg4[%add3A_209, %dma_wait3A_214] : memref<49152x128xf32, #tpu.memory_space<hbm>> -> memref<768x128xf32, #tpu.memory_space<hbm>>
      %dma_wait3A_216 = arith.constant 0 : i32
      %dma_wait3A_217 = tpu.memref_slice %arg4[%add3A_209, %dma_wait3A_216] : memref<49152x128xf32, #tpu.memory_space<hbm>> -> memref<768x128xf32, #tpu.memory_space<hbm>>
      tpu.wait_dma2 semaphore(%run_scoped3A : memref<!tpu.dma_semaphore, #tpu.memory_space<semaphore_mem>>) src(%arg6 : memref<768x128xf32, #tpu.memory_space<vmem>>) dst(%dma_wait3A_217 : memref<768x128xf32, #tpu.memory_space<hbm>>)
      tpu.yield
    }) : () -> ()
    return
  }
}

module attributes {stable_mosaic.version = 14 : i64} {
  func.func @_transpose_body(%arg0: i32, %arg1: memref<64x16000xf32, #tpu.memory_space<vmem>>, %arg2: memref<8000x128xf32, #tpu.memory_space<vmem>>) attributes {dimension_semantics = [#tpu.dimension_semantics<arbitrary>], iteration_bounds = array<i64: 125>, scalar_prefetch = 0 : i64, scratch_operands = 0 : i64, tpu.core_type = #tpu.core_type<tc>, window_params = [{transform_indices = @transform_0, window_bounds = array<i64: 64, 16000>}, {transform_indices = @transform_1, window_bounds = array<i64: 8000, 128>}]} {
    %get3A = arith.constant 0 : index
    %get3A_0 = arith.constant 0 : index
    %get3A_1 = vector.load %arg1[%get3A, %get3A_0] : memref<64x16000xf32, #tpu.memory_space<vmem>>, vector<64x16000xf32>
    %transpose3A = tpu.transpose %get3A_1, [1, 0] : vector<64x16000xf32> -> vector<16000x64xf32>
    %slice3A = vector.extract_strided_slice %transpose3A {offsets = [0, 0], sizes = [8000, 64], strides = [1, 1]} : vector<16000x64xf32> to vector<8000x64xf32>
    %swap3A = arith.constant 0 : index
    %swap3A_2 = arith.constant 0 : index
    %swap3A_3 = vector.load %arg2[%swap3A, %swap3A_2] : memref<8000x128xf32, #tpu.memory_space<vmem>>, vector<8000x64xf32>
    tpu.vector_store %arg2[%swap3A, %swap3A_2], %slice3A {strides = array<i32>} : memref<8000x128xf32, #tpu.memory_space<vmem>>, vector<8000x64xf32>,
    %slice3A_4 = vector.extract_strided_slice %transpose3A {offsets = [8000, 0], sizes = [8000, 64], strides = [1, 1]} : vector<16000x64xf32> to vector<8000x64xf32>
    %swap3A_5 = arith.constant 0 : index
    %swap3A_6 = arith.constant 64 : index
    %swap3A_7 = vector.load %arg2[%swap3A_5, %swap3A_6] : memref<8000x128xf32, #tpu.memory_space<vmem>>, vector<8000x64xf32>
    tpu.vector_store %arg2[%swap3A_5, %swap3A_6], %slice3A_4 {strides = array<i32>} : memref<8000x128xf32, #tpu.memory_space<vmem>>, vector<8000x64xf32>,
    return
  }
  func.func @transform_0(%arg0: i32) -> (i32, i32) {
    %c0_i32 = arith.constant 0 : i32
    %c0_i32_0 = arith.constant 0 : i32
    return %c0_i32, %arg0 : i32, i32
  }
  func.func @transform_1(%arg0: i32) -> (i32, i32) {
    %c0_i32 = arith.constant 0 : i32
    %c0_i32_0 = arith.constant 0 : i32
    return %arg0, %c0_i32 : i32, i32
  }
}

module attributes {stable_mosaic.version = 14 : i64} {
  func.func @_tc_body(%arg0: i32, %arg1: memref<3x32x128x128xf32, #tpu.memory_space<vmem>>, %arg2: memref<3x32x128xf32, #tpu.memory_space<vmem>>, %arg3: memref<32x128xf32, #tpu.memory_space<vmem>>, %arg4: memref<1x1xf32, #tpu.memory_space<vmem>>, %arg5: memref<1x1xf32, #tpu.memory_space<vmem>>, %arg6: memref<1x1xf32, #tpu.memory_space<vmem>>, %arg7: memref<2xf32, #tpu.memory_space<smem>>) attributes {dimension_semantics = [#tpu.dimension_semantics<arbitrary>], iteration_bounds = array<i64: 4>, scalar_prefetch = 0 : i64, scratch_operands = 1 : i64, tpu.core_type = #tpu.core_type<tc>, window_params = [{transform_indices = @transform_0, window_bounds = array<i64: 3, 32, 128, 128>}, {transform_indices = @transform_1, window_bounds = array<i64: 3, 32, 128>}, {transform_indices = @transform_2, window_bounds = array<i64: 32, 128>}, {pipeline_mode = #tpu.pipeline_mode<synchronous>, transform_indices = @transform_3, window_bounds = array<i64: 1, 1>}, {pipeline_mode = #tpu.pipeline_mode<synchronous>, transform_indices = @transform_4, window_bounds = array<i64: 1, 1>}, {pipeline_mode = #tpu.pipeline_mode<synchronous>, transform_indices = @transform_5, window_bounds = array<i64: 1, 1>}]} {
    %eq3A = arith.constant 0 : i32
    %eq3A_0 = arith.cmpi eq, %arg0, %eq3A : i32
    %convert_element_type3A = arith.extui %eq3A_0 : i1 to i32
    %cond3A = arith.constant 0 : i32
    %cond3A_1 = arith.cmpi ne, %convert_element_type3A, %cond3A : i32
    scf.if %cond3A_1 {
      %swap3A_125 = arith.constant 0.000000e+00 : f32
      %swap3A_126 = arith.constant 0 : index
      %swap3A_127 = memref.load %arg7[%swap3A_126] : memref<2xf32, #tpu.memory_space<smem>>
      memref.store %swap3A_125, %arg7[%swap3A_126] : memref<2xf32, #tpu.memory_space<smem>>
      %swap3A_128 = arith.constant 0.000000e+00 : f32
      %swap3A_129 = arith.constant 1 : index
      %swap3A_130 = memref.load %arg7[%swap3A_129] : memref<2xf32, #tpu.memory_space<smem>>
      memref.store %swap3A_128, %arg7[%swap3A_129] : memref<2xf32, #tpu.memory_space<smem>>
    } else {
    }
    %get3A = arith.constant 0 : index
    %get3A_2 = arith.constant 0 : index
    %get3A_3 = arith.constant 0 : index
    %get3A_4 = vector.load %arg2[%get3A, %get3A_2, %get3A_3] : memref<3x32x128xf32, #tpu.memory_space<vmem>>, vector<3x32x128xf32>
    %get3A_5 = arith.constant 0 : index
    %get3A_6 = arith.constant 0 : index
    %get3A_7 = arith.constant 0 : index
    %get3A_8 = arith.constant 0 : index
    %get3A_9 = vector.load %arg1[%get3A_5, %get3A_6, %get3A_7, %get3A_8] : memref<3x32x128x128xf32, #tpu.memory_space<vmem>>, vector<1x32x128x128xf32>
    %get3A_10 = vector.shape_cast %get3A_9 : vector<1x32x128x128xf32> to vector<32x128x128xf32>
    %slice3A = vector.extract_strided_slice %get3A_4 {offsets = [0, 0, 0], sizes = [1, 32, 128], strides = [1, 1, 1]} : vector<3x32x128xf32> to vector<1x32x128xf32>
    %squeeze3A = vector.shape_cast %slice3A : vector<1x32x128xf32> to vector<32x128xf32>
    %slice3A_11 = vector.extract_strided_slice %get3A_10 {offsets = [0, 0, 64], sizes = [32, 128, 64], strides = [1, 1, 1]} : vector<32x128x128xf32> to vector<32x128x64xf32>
    %slice3A_12 = vector.extract_strided_slice %get3A_10 {offsets = [0, 0, 0], sizes = [32, 128, 64], strides = [1, 1, 1]} : vector<32x128x128xf32> to vector<32x128x64xf32>
    %concatenate3A = tpu.concatenate %slice3A_11, %slice3A_12 in 2 : vector<32x128x64xf32>, vector<32x128x64xf32> -> vector<32x128x128xf32>
    %broadcast_in_dim3A = vector.shape_cast %squeeze3A : vector<32x128xf32> to vector<32x128x1xf32>
    %gt3A = arith.constant 5.000000e-01 : f32
    %gt3A_13 = vector.broadcast %gt3A : f32 to vector<32x128x1xf32>
    %gt3A_14 = arith.cmpf ogt, %broadcast_in_dim3A, %gt3A_13 : vector<32x128x1xf32>
    %broadcast_in_dim3A_15 = vector.shape_cast %gt3A_14 : vector<32x128x1xi1> to vector<32x128x1xi1>
    %broadcast_in_dim3A_16 = vector.broadcast %broadcast_in_dim3A_15 : vector<32x128x1xi1> to vector<32x128x128xi1>
    %select_n3A = arith.select %broadcast_in_dim3A_16, %concatenate3A, %get3A_10 : vector<32x128x128xi1>, vector<32x128x128xf32>
    %iota3A = tpu.iota {dimensions = array<i32: 2>} : vector<32x128x128xi32>
    %lt3A = arith.constant 64 : i32
    %lt3A_17 = vector.broadcast %lt3A : i32 to vector<32x128x128xi32>
    %lt3A_18 = arith.cmpi slt, %iota3A, %lt3A_17 : vector<32x128x128xi32>
    %jit3A = arith.constant 0.000000e+00 : f32
    %broadcast_in_dim3A_19 = vector.broadcast %jit3A : f32 to vector<32x128x128xf32>
    %select_n3A_20 = arith.select %lt3A_18, %select_n3A, %broadcast_in_dim3A_19 : vector<32x128x128xi1>, vector<32x128x128xf32>
    %get3A_21 = arith.constant 1 : index
    %get3A_22 = arith.constant 0 : index
    %get3A_23 = arith.constant 0 : index
    %get3A_24 = arith.constant 0 : index
    %get3A_25 = vector.load %arg1[%get3A_21, %get3A_22, %get3A_23, %get3A_24] : memref<3x32x128x128xf32, #tpu.memory_space<vmem>>, vector<1x32x128x128xf32>
    %get3A_26 = vector.shape_cast %get3A_25 : vector<1x32x128x128xf32> to vector<32x128x128xf32>
    %slice3A_27 = vector.extract_strided_slice %get3A_4 {offsets = [1, 0, 0], sizes = [1, 32, 128], strides = [1, 1, 1]} : vector<3x32x128xf32> to vector<1x32x128xf32>
    %squeeze3A_28 = vector.shape_cast %slice3A_27 : vector<1x32x128xf32> to vector<32x128xf32>
    %slice3A_29 = vector.extract_strided_slice %get3A_26 {offsets = [0, 0, 64], sizes = [32, 128, 64], strides = [1, 1, 1]} : vector<32x128x128xf32> to vector<32x128x64xf32>
    %slice3A_30 = vector.extract_strided_slice %get3A_26 {offsets = [0, 0, 0], sizes = [32, 128, 64], strides = [1, 1, 1]} : vector<32x128x128xf32> to vector<32x128x64xf32>
    %concatenate3A_31 = tpu.concatenate %slice3A_29, %slice3A_30 in 2 : vector<32x128x64xf32>, vector<32x128x64xf32> -> vector<32x128x128xf32>
    %broadcast_in_dim3A_32 = vector.shape_cast %squeeze3A_28 : vector<32x128xf32> to vector<32x128x1xf32>
    %gt3A_33 = arith.constant 5.000000e-01 : f32
    %gt3A_34 = vector.broadcast %gt3A_33 : f32 to vector<32x128x1xf32>
    %gt3A_35 = arith.cmpf ogt, %broadcast_in_dim3A_32, %gt3A_34 : vector<32x128x1xf32>
    %broadcast_in_dim3A_36 = vector.shape_cast %gt3A_35 : vector<32x128x1xi1> to vector<32x128x1xi1>
    %broadcast_in_dim3A_37 = vector.broadcast %broadcast_in_dim3A_36 : vector<32x128x1xi1> to vector<32x128x128xi1>
    %select_n3A_38 = arith.select %broadcast_in_dim3A_37, %concatenate3A_31, %get3A_26 : vector<32x128x128xi1>, vector<32x128x128xf32>
    %iota3A_39 = tpu.iota {dimensions = array<i32: 2>} : vector<32x128x128xi32>
    %lt3A_40 = arith.constant 64 : i32
    %lt3A_41 = vector.broadcast %lt3A_40 : i32 to vector<32x128x128xi32>
    %lt3A_42 = arith.cmpi slt, %iota3A_39, %lt3A_41 : vector<32x128x128xi32>
    %jit3A_43 = arith.constant 0.000000e+00 : f32
    %broadcast_in_dim3A_44 = vector.broadcast %jit3A_43 : f32 to vector<32x128x128xf32>
    %select_n3A_45 = arith.select %lt3A_42, %select_n3A_38, %broadcast_in_dim3A_44 : vector<32x128x128xi1>, vector<32x128x128xf32>
    %get3A_46 = arith.constant 2 : index
    %get3A_47 = arith.constant 0 : index
    %get3A_48 = arith.constant 0 : index
    %get3A_49 = arith.constant 0 : index
    %get3A_50 = vector.load %arg1[%get3A_46, %get3A_47, %get3A_48, %get3A_49] : memref<3x32x128x128xf32, #tpu.memory_space<vmem>>, vector<1x32x128x128xf32>
    %get3A_51 = vector.shape_cast %get3A_50 : vector<1x32x128x128xf32> to vector<32x128x128xf32>
    %slice3A_52 = vector.extract_strided_slice %get3A_4 {offsets = [2, 0, 0], sizes = [1, 32, 128], strides = [1, 1, 1]} : vector<3x32x128xf32> to vector<1x32x128xf32>
    %squeeze3A_53 = vector.shape_cast %slice3A_52 : vector<1x32x128xf32> to vector<32x128xf32>
    %slice3A_54 = vector.extract_strided_slice %get3A_51 {offsets = [0, 0, 64], sizes = [32, 128, 64], strides = [1, 1, 1]} : vector<32x128x128xf32> to vector<32x128x64xf32>
    %slice3A_55 = vector.extract_strided_slice %get3A_51 {offsets = [0, 0, 0], sizes = [32, 128, 64], strides = [1, 1, 1]} : vector<32x128x128xf32> to vector<32x128x64xf32>
    %concatenate3A_56 = tpu.concatenate %slice3A_54, %slice3A_55 in 2 : vector<32x128x64xf32>, vector<32x128x64xf32> -> vector<32x128x128xf32>
    %broadcast_in_dim3A_57 = vector.shape_cast %squeeze3A_53 : vector<32x128xf32> to vector<32x128x1xf32>
    %gt3A_58 = arith.constant 5.000000e-01 : f32
    %gt3A_59 = vector.broadcast %gt3A_58 : f32 to vector<32x128x1xf32>
    %gt3A_60 = arith.cmpf ogt, %broadcast_in_dim3A_57, %gt3A_59 : vector<32x128x1xf32>
    %broadcast_in_dim3A_61 = vector.shape_cast %gt3A_60 : vector<32x128x1xi1> to vector<32x128x1xi1>
    %broadcast_in_dim3A_62 = vector.broadcast %broadcast_in_dim3A_61 : vector<32x128x1xi1> to vector<32x128x128xi1>
    %select_n3A_63 = arith.select %broadcast_in_dim3A_62, %concatenate3A_56, %get3A_51 : vector<32x128x128xi1>, vector<32x128x128xf32>
    %iota3A_64 = tpu.iota {dimensions = array<i32: 2>} : vector<32x128x128xi32>
    %lt3A_65 = arith.constant 64 : i32
    %lt3A_66 = vector.broadcast %lt3A_65 : i32 to vector<32x128x128xi32>
    %lt3A_67 = arith.cmpi slt, %iota3A_64, %lt3A_66 : vector<32x128x128xi32>
    %jit3A_68 = arith.constant 0.000000e+00 : f32
    %broadcast_in_dim3A_69 = vector.broadcast %jit3A_68 : f32 to vector<32x128x128xf32>
    %select_n3A_70 = arith.select %lt3A_67, %select_n3A_63, %broadcast_in_dim3A_69 : vector<32x128x128xi1>, vector<32x128x128xf32>
    %mul3A = arith.mulf %select_n3A_20, %select_n3A_45 : vector<32x128x128xf32>
    %reduce_sum3A = arith.constant dense<0.000000e+00> : vector<32x128xf32>
    %reduce_sum3A_71 = vector.multi_reduction <add>, %mul3A, %reduce_sum3A [2] : vector<32x128x128xf32> to vector<32x128xf32>
    %mul3A_72 = arith.mulf %select_n3A_20, %select_n3A_70 : vector<32x128x128xf32>
    %reduce_sum3A_73 = arith.constant dense<0.000000e+00> : vector<32x128xf32>
    %reduce_sum3A_74 = vector.multi_reduction <add>, %mul3A_72, %reduce_sum3A_73 [2] : vector<32x128x128xf32> to vector<32x128xf32>
    %mul3A_75 = arith.mulf %select_n3A_45, %select_n3A_70 : vector<32x128x128xf32>
    %reduce_sum3A_76 = arith.constant dense<0.000000e+00> : vector<32x128xf32>
    %reduce_sum3A_77 = vector.multi_reduction <add>, %mul3A_75, %reduce_sum3A_76 [2] : vector<32x128x128xf32> to vector<32x128xf32>
    %add3A = arith.addf %reduce_sum3A_74, %reduce_sum3A_77 : vector<32x128xf32>
    %swap3A = arith.constant 0 : index
    %swap3A_78 = arith.constant 0 : index
    %swap3A_79 = vector.load %arg3[%swap3A, %swap3A_78] : memref<32x128xf32, #tpu.memory_space<vmem>>, vector<32x128xf32>
    tpu.vector_store %arg3[%swap3A, %swap3A_78], %add3A {strides = array<i32>} : memref<32x128xf32, #tpu.memory_space<vmem>>, vector<32x128xf32>,
    %sub3A = arith.subf %reduce_sum3A_71, %reduce_sum3A_74 : vector<32x128xf32>
    %get3A_80 = arith.constant 0 : index
    %get3A_81 = memref.load %arg7[%get3A_80] : memref<2xf32, #tpu.memory_space<smem>>
    %logistic3A = arith.negf %sub3A : vector<32x128xf32>
    %logistic3A_82 = math.exp %logistic3A : vector<32x128xf32>
    %logistic3A_83 = arith.constant 1.000000e+00 : f32
    %logistic3A_84 = vector.broadcast %logistic3A_83 : f32 to vector<32x128xf32>
    %logistic3A_85 = arith.addf %logistic3A_84, %logistic3A_82 : vector<32x128xf32>
    %logistic3A_86 = arith.divf %logistic3A_84, %logistic3A_85 : vector<32x128xf32>
    %log3A = math.log %logistic3A_86 : vector<32x128xf32>
    %reduce_sum3A_87 = vector.shape_cast %log3A : vector<32x128xf32> to vector<1x32x128xf32>
    %reduce_sum3A_88 = arith.constant dense<0.000000e+00> : vector<1xf32>
    %reduce_sum3A_89 = vector.multi_reduction <add>, %reduce_sum3A_87, %reduce_sum3A_88 [1, 2] : vector<1x32x128xf32> to vector<1xf32>
    %reduce_sum3A_90 = vector.shape_cast %reduce_sum3A_89 : vector<1xf32> to vector<1x1x1xf32>
    %reduce_sum3A_91 = vector.extract %reduce_sum3A_90[0, 0, 0] : f32 from vector<1x1x1xf32>
    %add3A_92 = arith.addf %get3A_81, %reduce_sum3A_91 : f32
    %swap3A_93 = arith.constant 0 : index
    %swap3A_94 = memref.load %arg7[%swap3A_93] : memref<2xf32, #tpu.memory_space<smem>>
    memref.store %add3A_92, %arg7[%swap3A_93] : memref<2xf32, #tpu.memory_space<smem>>
    %get3A_95 = arith.constant 1 : index
    %get3A_96 = memref.load %arg7[%get3A_95] : memref<2xf32, #tpu.memory_space<smem>>
    %mul3A_97 = arith.mulf %select_n3A_20, %select_n3A_20 : vector<32x128x128xf32>
    %reduce_sum3A_98 = vector.shape_cast %mul3A_97 : vector<32x128x128xf32> to vector<1x32x128x128xf32>
    %reduce_sum3A_99 = arith.constant dense<0.000000e+00> : vector<1xf32>
    %reduce_sum3A_100 = vector.multi_reduction <add>, %reduce_sum3A_98, %reduce_sum3A_99 [1, 2, 3] : vector<1x32x128x128xf32> to vector<1xf32>
    %reduce_sum3A_101 = vector.shape_cast %reduce_sum3A_100 : vector<1xf32> to vector<1x1x1x1xf32>
    %reduce_sum3A_102 = vector.extract %reduce_sum3A_101[0, 0, 0, 0] : f32 from vector<1x1x1x1xf32>
    %mul3A_103 = arith.mulf %select_n3A_45, %select_n3A_45 : vector<32x128x128xf32>
    %reduce_sum3A_104 = vector.shape_cast %mul3A_103 : vector<32x128x128xf32> to vector<1x32x128x128xf32>
    %reduce_sum3A_105 = arith.constant dense<0.000000e+00> : vector<1xf32>
    %reduce_sum3A_106 = vector.multi_reduction <add>, %reduce_sum3A_104, %reduce_sum3A_105 [1, 2, 3] : vector<1x32x128x128xf32> to vector<1xf32>
    %reduce_sum3A_107 = vector.shape_cast %reduce_sum3A_106 : vector<1xf32> to vector<1x1x1x1xf32>
    %reduce_sum3A_108 = vector.extract %reduce_sum3A_107[0, 0, 0, 0] : f32 from vector<1x1x1x1xf32>
    %add3A_109 = arith.addf %reduce_sum3A_102, %reduce_sum3A_108 : f32
    %mul3A_110 = arith.mulf %select_n3A_70, %select_n3A_70 : vector<32x128x128xf32>
    %reduce_sum3A_111 = vector.shape_cast %mul3A_110 : vector<32x128x128xf32> to vector<1x32x128x128xf32>
    %reduce_sum3A_112 = arith.constant dense<0.000000e+00> : vector<1xf32>
    %reduce_sum3A_113 = vector.multi_reduction <add>, %reduce_sum3A_111, %reduce_sum3A_112 [1, 2, 3] : vector<1x32x128x128xf32> to vector<1xf32>
    %reduce_sum3A_114 = vector.shape_cast %reduce_sum3A_113 : vector<1xf32> to vector<1x1x1x1xf32>
    %reduce_sum3A_115 = vector.extract %reduce_sum3A_114[0, 0, 0, 0] : f32 from vector<1x1x1x1xf32>
    %add3A_116 = arith.addf %add3A_109, %reduce_sum3A_115 : f32
    %add3A_117 = arith.addf %get3A_96, %add3A_116 : f32
    %swap3A_118 = arith.constant 1 : index
    %swap3A_119 = memref.load %arg7[%swap3A_118] : memref<2xf32, #tpu.memory_space<smem>>
    memref.store %add3A_117, %arg7[%swap3A_118] : memref<2xf32, #tpu.memory_space<smem>>
    %eq3A_120 = arith.constant 3 : i32
    %eq3A_121 = arith.cmpi eq, %arg0, %eq3A_120 : i32
    %convert_element_type3A_122 = arith.extui %eq3A_121 : i1 to i32
    %cond3A_123 = arith.constant 0 : i32
    %cond3A_124 = arith.cmpi ne, %convert_element_type3A_122, %cond3A_123 : i32
    scf.if %cond3A_124 {
      %get3A_125 = arith.constant 0 : index
      %get3A_126 = memref.load %arg7[%get3A_125] : memref<2xf32, #tpu.memory_space<smem>>
      %neg3A = arith.constant 0.000000e+00 : f32
      %neg3A_127 = arith.subf %neg3A, %get3A_126 : f32
      %div3A = arith.constant 1.638400e+04 : f32
      %div3A_128 = arith.divf %neg3A_127, %div3A : f32
      %get3A_129 = arith.constant 1 : index
      %get3A_130 = memref.load %arg7[%get3A_129] : memref<2xf32, #tpu.memory_space<smem>>
      %mul3A_131 = arith.constant 5.000000e-06 : f32
      %mul3A_132 = arith.mulf %mul3A_131, %get3A_130 : f32
      %broadcast_in_dim3A_133 = vector.broadcast %div3A_128 : f32 to vector<1x1xf32>
      %swap3A_134 = arith.constant 0 : index
      %swap3A_135 = arith.constant 0 : index
      %swap3A_136 = vector.load %arg4[%swap3A_134, %swap3A_135] : memref<1x1xf32, #tpu.memory_space<vmem>>, vector<1x1xf32>
      tpu.vector_store %arg4[%swap3A_134, %swap3A_135], %broadcast_in_dim3A_133 {strides = array<i32>} : memref<1x1xf32, #tpu.memory_space<vmem>>, vector<1x1xf32>,
      %broadcast_in_dim3A_137 = vector.broadcast %mul3A_132 : f32 to vector<1x1xf32>
      %swap3A_138 = arith.constant 0 : index
      %swap3A_139 = arith.constant 0 : index
      %swap3A_140 = vector.load %arg5[%swap3A_138, %swap3A_139] : memref<1x1xf32, #tpu.memory_space<vmem>>, vector<1x1xf32>
      tpu.vector_store %arg5[%swap3A_138, %swap3A_139], %broadcast_in_dim3A_137 {strides = array<i32>} : memref<1x1xf32, #tpu.memory_space<vmem>>, vector<1x1xf32>,
      %add3A_141 = arith.addf %div3A_128, %mul3A_132 : f32
      %broadcast_in_dim3A_142 = vector.broadcast %add3A_141 : f32 to vector<1x1xf32>
      %swap3A_143 = arith.constant 0 : index
      %swap3A_144 = arith.constant 0 : index
      %swap3A_145 = vector.load %arg6[%swap3A_143, %swap3A_144] : memref<1x1xf32, #tpu.memory_space<vmem>>, vector<1x1xf32>
      tpu.vector_store %arg6[%swap3A_143, %swap3A_144], %broadcast_in_dim3A_142 {strides = array<i32>} : memref<1x1xf32, #tpu.memory_space<vmem>>, vector<1x1xf32>,
    } else {
    }
    return
  }
  func.func @transform_0(%arg0: i32) -> (i32, i32, i32, i32) {
    %c0_i32 = arith.constant 0 : i32
    %c0_i32_0 = arith.constant 0 : i32
    %c0_i32_1 = arith.constant 0 : i32
    %c0_i32_2 = arith.constant 0 : i32
    return %c0_i32, %arg0, %c0_i32_0, %c0_i32_1 : i32, i32, i32, i32
  }
  func.func @transform_1(%arg0: i32) -> (i32, i32, i32) {
    %c0_i32 = arith.constant 0 : i32
    %c0_i32_0 = arith.constant 0 : i32
    %c0_i32_1 = arith.constant 0 : i32
    return %c0_i32, %arg0, %c0_i32_0 : i32, i32, i32
  }
  func.func @transform_2(%arg0: i32) -> (i32, i32) {
    %c0_i32 = arith.constant 0 : i32
    %c0_i32_0 = arith.constant 0 : i32
    return %arg0, %c0_i32 : i32, i32
  }
  func.func @transform_3(%arg0: i32) -> (i32, i32) {
    %c0_i32 = arith.constant 0 : i32
    %c0_i32_0 = arith.constant 0 : i32
    %c0_i32_1 = arith.constant 0 : i32
    return %c0_i32, %c0_i32_0 : i32, i32
  }
  func.func @transform_4(%arg0: i32) -> (i32, i32) {
    %c0_i32 = arith.constant 0 : i32
    %c0_i32_0 = arith.constant 0 : i32
    %c0_i32_1 = arith.constant 0 : i32
    return %c0_i32, %c0_i32_0 : i32, i32
  }
  func.func @transform_5(%arg0: i32) -> (i32, i32) {
    %c0_i32 = arith.constant 0 : i32
    %c0_i32_0 = arith.constant 0 : i32
    %c0_i32_1 = arith.constant 0 : i32
    return %c0_i32, %c0_i32_0 : i32, i32
  }
}

</mosaic_0001>

<sc_bundles>
// kernel: kernel.5.cloned.1.call-start
scs
__scs_entry_jumppad:
0x0: {  	(pc) =	sbr.rel $0x88, $3  }
0x1: {  	(tag) =	ssettag $0x0;
	lr =	simm.s32 $0x1  }
0x2: {  	[smem:$0x3F9D] =	sst lr;
	_ =	strace $0xD0000000  }
0x3: {  	_ = 	snop  }
0x4: {  	_ = 	snop  }
0x5: {  	_ = 	snop  }
0x6: {  	_ = 	snop  }
0x7: {  	_ = 	snop  }
__scs_overlays_trampoline_lowered:
0x8: {  	[smem:$0x3FAC] =	sst s0  }
0x9: {  	[smem:$0x3FAD] =	sst s1  }
0xa: {  	[smem:$0x3FAE] =	sst s2  }
0xb: {  	[smem:$0x3FAF] =	sst s3  }
0xc: {  	[smem:$0x3FB0] =	sst s4  }
0xd: {  	[smem:$0x3FB1] =	sst s5  }
0xe: {  	[smem:$0x3FB2] =	sst s6  }
0xf: {  	[smem:$0x3FB3] =	sst s7  }
0x10: {  	[smem:$0x3FB4] =	sst s8  }
0x11: {  	[smem:$0x3FB5] =	sst s9;
	s0 =	simm.s32 @!p0 $0x0  }
0x12: {  	s1 =	sld [smem:$0x3F9B];
	s0 =	simm.s32 @p0 $0x1  }
0x13: {  	[smem:$0x3FB6] =	sst s0;
	s0 =	simm.s32 @!p1 $0x0  }
0x14: {  	s2 =	sld [smem:$0x3F9A];
	s0 =	simm.s32 @p1 $0x1  }
0x15: {  	[smem:$0x3FB7] =	sst s0;
	s0 =	simm.s32 @!p2 $0x0  }
0x16: {  	s3 =	sld [smem:$0x3FDB];
	s0 =	simm.s32 @p2 $0x1  }
0x17: {  	s4 =	simm.s32 $0x1BF5;
	[smem:$0x3FB9] =	sst s0  }
0x18: {  	s0 =	sld [smem:$0x3F9C];
	_ =	swait.ge [sflag:s4], $0x0  }
0x19: {  	s7 =	sld [smem:$0x3F9D]  }
0x1a: {  	s8 =	sadd.s32 $0xFFFFE003, lr  }
0x1b: {  	s9 =	sadd.s32 $0xFFFFFEF7, lr;
	s5 =	simm.s32 $0xFFFFFFFF;
	p2 =	slt.u32 s8, $0xFFFFF086  }
0x1c: {  	p1 =	slt.u32 s9, $0xF7A;
	s5 =	simm.s32 @!p2 $0x0  }
0x1d: {  	s5 =	simm.s32 @p1 $0x1;
	p0 =	seq.s32 s7, s2  }
0x1e: {  	s7 =	smul.u32 @!p0 $0xF7A, s2;
	p2 =	seq.s32 @!p0 s5, $0x0  }
0x1f: {  	s9 =	smul.u32 $0xF7A, s1;
	s8 =	simm.s32 @!p0 $0x1BF5;
	p2 =	por !p2, p0  }
0x20: {  	[sflag:s8] =	ssyncset.s32 @!p0 $0xFFFFF086;
	s6 =	sadd.s32 @!p0 s3, s7;
	s7 =	simm.s32 @!p0 $0x108  }
0x21: {  	s3 =	sadd.s32 s3, s9;
	s6 =	sadd.s32 @!p0 $0x88, s6;
	s7 =	simm.s32 @p2 $0x1082  }
0x22: {  	[simem:s7], [sflag:s8] =	dma.local @!p0 [hbm:s6], $0xF7A  }
0x23: {  	s9 =	sor.u32 $0xD0000000, s2;
	s6 =	simm.s32 $0x108;
	_ =	swait.ge @!p0 [sflag:s8], $0x0  }
0x24: {  	s3 =	sadd.s32 $0x88, s3;
	s6 =	simm.s32 @!p1 $0x1082;
	[sflag:s4] =	ssyncset.s32 $0xFFFFF086  }
0x25: {  	[simem:s6], [sflag:s4] =	dma.local [hbm:s3], $0xF7A  }
0x26: {  	[smem:$0x3F9D] =	sst s1;
	(tag) =	ssettag s2;
	_ =	strace s9  }
0x27: {  	s1 =	sld [smem:$0x3FAD]  }
0x28: {  	s2 =	sld [smem:$0x3FAE]  }
0x29: {  	s4 =	sld [smem:$0x3FB0]  }
0x2a: {  	p0 =	seq.s32 s5, $0x0;
	s5 =	sld [smem:$0x3FB1]  }
0x2b: {  	s6 =	sld [smem:$0x3FB2]  }
0x2c: {  	s7 =	sld [smem:$0x3FB3]  }
0x2d: {  	s3 =	simm.s32 $0x108;
	s8 =	sld [smem:$0x3FB4]  }
0x2e: {  	s3 =	simm.s32 @!p0 $0x1082;
	s9 =	sld [smem:$0x3FB5]  }
0x2f: {  	lr =	sadd.s32 s0, s3;
	s0 =	sld [smem:$0x3FAC]  }
0x30: {  	s3 =	sld [smem:$0x3FAF]  }
0x31: {  	[smem:$0x3FB8] =	sst s10  }
0x32: {  	s10 =	sld [smem:$0x3FB6];
	_ =	sdelay $0x3  }
0x33: {  	p0 =	seq.s32 s10, $0x1;
	s10 =	sld [smem:$0x3FB8];
	_ =	sdelay $0x3  }
0x34: {  	[smem:$0x3FB8] =	sst s10  }
0x35: {  	s10 =	sld [smem:$0x3FB7];
	_ =	sdelay $0x3  }
0x36: {  	p1 =	seq.s32 s10, $0x1;
	s10 =	sld [smem:$0x3FB8];
	_ =	sdelay $0x3  }
0x37: {  	[smem:$0x3FB8] =	sst s10  }
0x38: {  	s10 =	sld [smem:$0x3FB9]  }
0x39: {  	_ = 	snop;
	(pc) =	sbr.ind lr, $3  }
0x3a: {  	_ = 	snop  }
0x3b: {  	_ = 	snop  }
0x3c: {  	p2 =	seq.s32 s10, $0x1;
	s10 =	sld [smem:$0x3FB8]  }
0x3d: {  	_ =	shalt  }
0x3e: {  	_ =	shalt  }
0x3f: {  	_ =	shalt  }
0x40: {  	_ =	shalt  }
0x41: {  	_ =	shalt  }
0x42: {  	_ =	shalt  }
0x43: {  	_ =	shalt  }
0x44: {  	_ =	shalt  }
0x45: {  	_ =	shalt  }
0x46: {  	_ =	shalt  }
0x47: {  	_ =	shalt  }
0x48: {  	_ =	shalt  }
0x49: {  	_ =	shalt  }
0x4a: {  	_ =	shalt  }
0x4b: {  	_ =	shalt  }
0x4c: {  	_ =	shalt  }
0x4d: {  	_ =	shalt  }
0x4e: {  	_ =	shalt  }
0x4f: {  	_ =	shalt  }
0x50: {  	_ =	shalt  }
0x51: {  	_ =	shalt  }
0x52: {  	_ =	shalt  }
0x53: {  	_ =	shalt  }
0x54: {  	_ =	shalt  }
0x55: {  	_ =	shalt  }
0x56: {  	_ =	shalt  }
0x57: {  	_ =	shalt  }
0x58: {  	_ =	shalt  }
0x59: {  	_ =	shalt  }
0x5a: {  	_ =	shalt  }
0x5b: {  	_ =	shalt  }
0x5c: {  	_ =	shalt  }
0x5d: {  	_ =	shalt  }
0x5e: {  	_ =	shalt  }
0x5f: {  	_ =	shalt  }
0x60: {  	_ =	shalt  }
0x61: {  	_ =	shalt  }
0x62: {  	_ =	shalt  }
0x63: {  	_ =	shalt  }
0x64: {  	_ =	shalt  }
0x65: {  	_ =	shalt  }
0x66: {  	_ =	shalt  }
0x67: {  	_ =	shalt  }
0x68: {  	_ =	shalt  }
0x69: {  	_ =	shalt  }
0x6a: {  	_ =	shalt  }
0x6b: {  	_ =	shalt  }
0x6c: {  	_ =	shalt  }
0x6d: {  	_ =	shalt  }
0x6e: {  	_ =	shalt  }
0x6f: {  	_ =	shalt  }
0x70: {  	_ =	shalt  }
0x71: {  	_ =	shalt  }
0x72: {  	_ =	shalt  }
0x73: {  	_ =	shalt  }
0x74: {  	_ =	shalt  }
0x75: {  	_ =	shalt  }
0x76: {  	_ =	shalt  }
0x77: {  	_ =	shalt  }
0x78: {  	_ =	shalt  }
0x79: {  	_ =	shalt  }
0x7a: {  	_ =	shalt  }
0x7b: {  	_ =	shalt  }
0x7c: {  	_ =	shalt  }
0x7d: {  	_ =	shalt  }
0x7e: {  	_ =	shalt  }
0x7f: {  	_ =	shalt  }
0x80: {  	_ =	shalt  }
0x81: {  	_ =	shalt  }
0x82: {  	_ =	shalt  }
0x83: {  	_ =	shalt  }
0x84: {  	_ =	shalt  }
0x85: {  	_ =	shalt  }
0x86: {  	_ =	shalt  }
0x87: {  	_ =	shalt  }
.Lfunc_end0:
.L_simem_size_0:
called_computation_lowered:
.L_overlay_start_0:
0x88: {  	s2 =	sld [smem:$0x3FD9]  }
0x89: {  	s3 =	sld [smem:$0x3FFE];
	_ =	sdelay $0x1  }
0x8a: {  	s1 =	srdreg.scid  }
0x8b: {  	s0 =	sand.u32 $0x1, s1  }
0x8c: {  	s16 =	sshll.u32 s0, $0xA;
	s2 =	sadd.s32 s3, s2  }
0x8d: {  	s2 =	sadd.s32 s2, s16  }
0x8e: {  	[smem:$0x3FC4] =	sst s2  }
0x8f: {  	_ = 	snop  }
0x90: {  	(tm) =	ssettm $0x1  }
0x91: {  	s17 =	sld [smem:$0x3FFB];
	_ =	sdelay $0x3  }
0x92: {  	_ =	strace s17  }
0x93: {  	s2 =	sld [smem:$0x3FFC];
	_ =	sdelay $0x3  }
0x94: {  	_ =	strace s2  }
0x95: {  	s2 =	sld [smem:$0x3FFD];
	_ =	sdelay $0x3  }
0x96: {  	_ =	strace s2  }
0x97: {  	_ =	strace $0x8FFFFFFF  }
0x98: {  	s18 =	sld [smem:$0x3FDB];
	_ =	sdelay $0x1  }
0x99: {  	s19 =	simm.s32 $_scs_section_size  }
0x9a: {  	s4 =	simm.s32 $_size__tile_overlayer_lowered;
	s5 =	simm.s32 $_tile_overlayer_lowered  }
0x9b: {  	s22 =	simm.s32 $0x1BFF;
	s21 =	sshll.u32 s5, $0x1;
	s2 =	sadd.s32 s19, s18  }
0x9c: {  	s6 =	simm.s32 $0x0;
	s20 =	sshll.u32 s4, $0x1;
	s4 =	sadd.s32 s21, s2  }
0x9d: {  	[timem:s6], [sflag:s22] =	dma.local [hbm:s4], s20  }
0x9e: {  	_ =	swait.ge [sflag:s22], s20  }
0x9f: {  	s3 =	ssub.s32 $0x0, s20;
	[sflag:s22] =	ssyncset.done $0x0  }
0xa0: {  	[sflag:s22] =	ssyncadd.s32 s3;
	_ =	sdelay $0x1  }
0xa1: {  	s23 =	simm.s32 $0x1B8B  }
0xa2: {  	_ =	swait.ge [sflag:s23], $0x1  }
0xa3: {  	[sflag:s23] =	ssyncset.done $0x0  }
0xa4: {  	s25 =	simm.s32 $0x1B8E;
	s24 =	sld [smem:$0x3FFE];
	[sflag:s23] =	ssyncadd.s32 $0xFFFFFFFF  }
0xa5: {  	s26 =	simm.s32 $execute0_lowered;
	[smem:$0x3FD2] =	sst s25  }
0xa6: {  	s4 =	sshll.u32 s26, $0x1;
	_ =	strace $0x80000046;
	[dreg:$0x1] =	wrdreg $0xFFFFFFFF  }
0xa7: {  	s28 =	simm.s32 $_size_execute0_lowered;
	s2 =	sadd.s32 s2, s4;
	[dreg:$0x0] =	wrdreg $0x0  }
0xa8: {  	s4 =	sshll.u32 s28, $0x1;
	[dreg:$0x2] =	wrdreg s2  }
0xa9: {  	[dreg:$0x3] =	wrdreg s4  }
0xaa: {  	[dreg:$0x4] =	wrdreg $0xC0  }
0xab: {  	_ =	task [dreg:s6], $0x5FFFF  }
0xac: {  	[dreg:$0x1] =	wrdreg $0xFFFFFFFF  }
0xad: {  	[dreg:$0x0] =	wrdreg $0x60  }
0xae: {  	[dreg:$0x2] =	wrdreg s24  }
0xaf: {  	[dreg:$0x3] =	wrdreg $0x9  }
0xb0: {  	_ =	task.clear_ibuf [dreg:s6], $0x4FFFF;
	_ =	strace $0x90000046  }
0xb1: {  	s29 =	simm.s32 $0x9;
	_ =	strace $0x80000048  }
0xb2: {  	_ =	swait.ge [sflag:s29], $0x1  }
0xb3: {  	[sflag:s29] =	ssyncadd.s32 $0xFFFFFFFF  }
0xb4: {  	_ =	strace $0x90000048  }
0xb5: {  	_ =	sfence  }
0xb6: {  	s30 =	sld [smem:$0x0];
	_ =	sdelay $0x2  }
0xb7: {  	s31 =	sshll.u32 s1, $0xD;
	s1 =	sshrl.u32 s1, $0x2  }
0xb8: {  	s3 =	sand.u32 $0x4000, s31;
	s1 =	sadd.s32 s1, s30  }
0xb9: {  	s0 =	sor.u32 s3, s0;
	s1 =	sshll.u32 s1, $0x11  }
0xba: {  	s0 =	sor.u32 s1, s0  }
0xbb: {  	s0 =	sadd.s32 $0x8F2B, s0  }
0xbc: {  	[sflag:s0] =	ssyncadd.remote.s32 $0x1  }
0xbd: {  	_ =	sfence.sel $0xFFFF  }
0xbe: {  	[dreg:$0x0] =	wrdreg $0xFFFFFFFF;
	(pc) =	sbr.abs _section_cstart, $3  }
0xbf: {  	[dreg:$0x1] =	wrdreg $0xFFFFFFFF  }
0xc0: {  	_ =	task.clear_ibuf [dreg:s6], $0x2FFFF;
	_ =	strace $0x9FFFFFFF  }
0xc1: {  	(tm) =	ssettm $0x7FFFFFFF  }
tec
execute0_lowered:
.L_overlay_start_1:
0x0: {  	(tag) =	ssettag $0x1  }
0x1: {  	s1 =	srdreg.scid  }
0x2: {  	s0 =	stileid.u32;
	s4 =	rddreg [dreg:$0x0];
	s2 =	simm.s32 $0x0  }
0x3: {  	s10 =	simm.s32 $0x3;
	s1 =	sand.u32 $0x1, s1;
	s3 =	sshll.u32 s0, $0x1  }
0x4: {  	s11 =	simm.s32 $0x4;
	s12 =	simm.s32 $0x5;
	s5 =	sor.u32 s1, s3  }
0x5: {  	s13 =	simm.s32 $0x6;
	s14 =	simm.s32 $0x7;
	s6 =	smul.u32 $0xC0, s5  }
0x6: {  	s15 =	simm.s32 $0x8;
	s16 =	simm.s32 $0x9;
	s7 =	smul.u32 $0x30000, s5  }
0x7: {  	[smem:$0x7FF] =	sst s2;
	s1 =	ssub.s32 $0x2, s1;
	s5 =	smul.u32 $0x6000, s5  }
0x8: {  	s8 =	sadd.s32 $0xF44E00, s4;
	_ =	strace $0x80000047;
	s25 =	sshrl.u32 s1, $0x1  }
0x9: {  	s1 =	ssub.s32 s1, s25;
	s6 =	sadd.s32 s6, s4;
	s29 =	sadd.s32 s8, s5  }
0xa: {  	s7 =	sshrl.u32 s7, $0x3;
	s31 =	smax.u32 s1, $0x1;
	[dreg:$0x3] =	wrdreg s29  }
0xb: {  	s26 =	sadd.s32 $0xF43600, s6;
	s28 =	sadd.s32 s8, s7;
	[dreg:$0x5] =	wrdreg s31  }
0xc: {  	s18 =	simm.s32 $0xA;
	[dreg:$0x2] =	wrdreg s26;
	s30 =	sadd.s32 $0x3000, s28  }
0xd: {  	s19 =	simm.s32 $0x0;
	s3 =	sadd.s32 $0x1200, s4;
	[dreg:$0x4] =	wrdreg s30  }
.LBB2_1:
0xe: {  	s0 =	rddreg [dreg:$0x2];
	s31 =	simm.s32 $0x1  }
0xf: {  	[tilespmem:s2], [sflag:$0x1] =	stream.linear.gather [hbm4b:s0+s2], $0x600, $0x38;
	[tilespmem:$0x18600] =	vst v63  }
0x10: {  	_ =	swait.ge [sflag:s31], $0x600  }
0x11: {  	[sflag:s31] =	ssyncset.done $0x0  }
0x12: {  	[sflag:s31] =	ssyncadd.s32 $0xFFFFFA00  }
0x13: {  	v0 =	vld [tilespmem:s2+$0x0];
	_ =	sdelay $0x4  }
0x14: {  	v0 =	vshll.u32 v0, $0x4  }
0x15: {  	(v2sf) =	vpush v0, $0x0  }
0x16: {  	(v2sf) =	vpush v0, $0x1  }
0x17: {  	(v2sf) =	vpush v0, $0x2;
	_ =	sdelay $0x1  }
0x18: {  	(v2sf) =	vpush v0, $0x4;
	_ =	sdelay $0x1  }
0x19: {  	(v2sf) =	vpush v0, $0x3  }
0x1a: {  	(v2sf) =	vpush v0, $0x5  }
0x1b: {  	s21 =	simm.s32 $0x2000;
	s20 =	simm.s32 $0x0;
	s22 =	simm.s32 $0x0;
	(v2sf) =	vpush v0, $0x6  }
.LBB2_2:
0x1c: {  	p0 =	sne.s32 s21, $0x5E000  }
0x1d: {  	s0 =	sadd.s32 $0x680, s20;
	s26 =	sadd.s32 $0xB80, s20;
	s23 =	smov.u32 s21  }
0x1e: {  	s21 =	sadd.s32 $0x2000, s21;
	s30 =	sadd.s32 $0x980, s20;
	s24 =	sadd.s32 $0xC00, s20;
	(v2sf) =	vpush v0, $0x7  }
0x1f: {  	s1 =	sadd.s32 $0x880, s20;
	s29 =	sadd.s32 $0xA00, s20;
	s25 =	sadd.s32 $0xC80, s20  }
0x20: {  	s4 =	sadd.s32 $0x600, s20;
	s5 =	sadd.s32 $0x800, s20;
	(v2sf) =	vpush v0, $0x8  }
0x21: {  	s6 =	sadd.s32 $0x900, s20;
	s22 =	sadd.s32 $0x10, s22  }
0x22: {  	s7 =	sadd.s32 $0x700, s20;
	s28 =	sadd.s32 $0xB00, s20;
	s31 =	spop (v2sf);
	(v2sf) =	vpush v0, $0x9  }
0x23: {  	s17 =	sand.u32 $0x1FFFFFF0, s31;
	s31 =	sadd.s32 $0xA80, s20;
	s8 =	spop (v2sf)  }
0x24: {  	s17 =	sadd.s32 s3, s17;
	s8 =	sand.u32 $0x1FFFFFF0, s8;
	s9 =	spop (v2sf);
	(v2sf) =	vpush v0, $0xA  }
0x25: {  	[tilespmem:s4], [sflag:$0x2] =	stream.linear.gather [hbm4b:s17+s2], $0x80, $0x38;
	[tilespmem:$0x18600] =	vst v63  }
0x26: {  	s4 =	sadd.s32 s3, s8;
	s8 =	sadd.s32 $0x780, s20;
	s17 =	spop (v2sf);
	(v2sf) =	vpush v0, $0xB  }
0x27: {  	[tilespmem:s0], [sflag:$0x3] =	stream.linear.gather [hbm4b:s4+s2], $0x80, $0x38;
	[tilespmem:$0x18600] =	vst v63  }
0x28: {  	s0 =	sand.u32 $0x1FFFFFF0, s9;
	s4 =	sand.u32 $0x1FFFFFF0, s17;
	s9 =	spop (v2sf);
	(v2sf) =	vpush v0, $0xC  }
0x29: {  	s0 =	sadd.s32 s3, s0;
	s9 =	sand.u32 $0x1FFFFFF0, s9;
	s17 =	spop (v2sf)  }
0x2a: {  	[tilespmem:s7], [sflag:$0x4] =	stream.linear.gather [hbm4b:s0+s2], $0x80, $0x38;
	(v2sf) =	vpush v0, $0xD;
	[tilespmem:$0x18600] =	vst v63  }
0x2b: {  	s0 =	sadd.s32 s3, s9;
	s7 =	sand.u32 $0x1FFFFFF0, s17;
	s9 =	spop (v2sf)  }
0x2c: {  	[tilespmem:s8], [sflag:$0x5] =	stream.linear.gather [hbm4b:s0+s2], $0x80, $0x38;
	(v2sf) =	vpush v0, $0xE;
	[tilespmem:$0x18600] =	vst v63  }
0x2d: {  	s0 =	sadd.s32 s3, s4;
	s4 =	sand.u32 $0x1FFFFFF0, s9;
	s8 =	spop (v2sf)  }
0x2e: {  	[tilespmem:s5], [sflag:$0x6] =	stream.linear.gather [hbm4b:s0+s2], $0x80, $0x38;
	(v2sf) =	vpush v0, $0xF;
	[tilespmem:$0x18600] =	vst v63  }
0x2f: {  	s0 =	sadd.s32 s3, s7;
	s5 =	sand.u32 $0x1FFFFFF0, s8;
	s7 =	spop (v2sf)  }
0x30: {  	[tilespmem:s1], [sflag:$0x7] =	stream.linear.gather [hbm4b:s0+s2], $0x80, $0x38;
	[tilespmem:$0x18600] =	vst v63  }
0x31: {  	s0 =	sadd.s32 s3, s4;
	s1 =	sand.u32 $0x1FFFFFF0, s7;
	s4 =	spop (v2sf)  }
0x32: {  	[tilespmem:s6], [sflag:$0x8] =	stream.linear.gather [hbm4b:s0+s2], $0x80, $0x38;
	[tilespmem:$0x18600] =	vst v63  }
0x33: {  	s0 =	sadd.s32 s3, s5;
	s4 =	sand.u32 $0x1FFFFFF0, s4;
	s5 =	spop (v2sf)  }
0x34: {  	[tilespmem:s30], [sflag:$0x9] =	stream.linear.gather [hbm4b:s0+s2], $0x80, $0x38;
	[tilespmem:$0x18600] =	vst v63  }
0x35: {  	s0 =	sadd.s32 s3, s1;
	s1 =	sand.u32 $0x1FFFFFF0, s5;
	s5 =	spop (v2sf)  }
0x36: {  	[tilespmem:s29], [sflag:$0x2] =	stream.linear.gather [hbm4b:s0+s2], $0x80, $0x38;
	[tilespmem:$0x18600] =	vst v63  }
0x37: {  	s0 =	sadd.s32 s3, s4;
	s4 =	sand.u32 $0x1FFFFFF0, s5;
	s5 =	spop (v2sf)  }
0x38: {  	[tilespmem:s31], [sflag:$0x3] =	stream.linear.gather [hbm4b:s0+s2], $0x80, $0x38;
	[tilespmem:$0x18600] =	vst v63  }
0x39: {  	s0 =	sadd.s32 s3, s1;
	s1 =	sand.u32 $0x1FFFFFF0, s5;
	s5 =	spop (v2sf)  }
0x3a: {  	[tilespmem:s28], [sflag:$0x4] =	stream.linear.gather [hbm4b:s0+s2], $0x80, $0x38;
	[tilespmem:$0x18600] =	vst v63  }
0x3b: {  	s0 =	sadd.s32 s3, s4;
	s4 =	sand.u32 $0x1FFFFFF0, s5;
	s5 =	spop (v2sf)  }
0x3c: {  	[tilespmem:s26], [sflag:$0x5] =	stream.linear.gather [hbm4b:s0+s2], $0x80, $0x38;
	[tilespmem:$0x18600] =	vst v63  }
0x3d: {  	s0 =	sadd.s32 s3, s1;
	s1 =	sand.u32 $0x1FFFFFF0, s5;
	s5 =	spop (v2sf)  }
0x3e: {  	[tilespmem:s24], [sflag:$0x6] =	stream.linear.gather [hbm4b:s0+s2], $0x80, $0x38;
	[tilespmem:$0x18600] =	vst v63  }
0x3f: {  	s0 =	sadd.s32 s3, s4;
	s4 =	sand.u32 $0x1FFFFFF0, s5  }
0x40: {  	[tilespmem:s25], [sflag:$0x7] =	stream.linear.gather [hbm4b:s0+s2], $0x80, $0x38;
	[tilespmem:$0x18600] =	vst v63  }
0x41: {  	s1 =	sadd.s32 s3, s1;
	s0 =	sadd.s32 $0xD00, s20  }
0x42: {  	[tilespmem:s0], [sflag:$0x8] =	stream.linear.gather [hbm4b:s1+s2], $0x80, $0x38;
	[tilespmem:$0x18600] =	vst v63  }
0x43: {  	s0 =	sadd.s32 $0xD80, s20;
	s1 =	sadd.s32 s3, s4  }
0x44: {  	[tilespmem:s0], [sflag:$0x9] =	stream.linear.gather [hbm4b:s1+s2], $0x80, $0x38;
	[tilespmem:$0x18600] =	vst v63  }
0x45: {  	v0 =	vld [tilespmem:s22+$0x0];
	_ =	sdelay $0x4  }
0x46: {  	v0 =	vshll.u32 v0, $0x4  }
0x47: {  	(v2sf) =	vpush v0, $0x0  }
0x48: {  	(v2sf) =	vpush v0, $0x1  }
0x49: {  	(v2sf) =	vpush v0, $0x2;
	_ =	sdelay $0x1  }
0x4a: {  	(v2sf) =	vpush v0, $0x4  }
.Ltmp0:
0x4b: {  	(pc) =	sbr.rel @p0 .LBB2_2-.Ltmp0, $3  }
0x4c: {  	(v2sf) =	vpush v0, $0x3  }
0x4d: {  	(v2sf) =	vpush v0, $0x5;
	_ =	sdelay $0x1  }
0x4e: {  	s20 =	sshra.s32 s23, $0x2;
	(v2sf) =	vpush v0, $0x6  }
0x4f: {  	_ =	sdelay $0x4  }
0x50: {  	s0 =	spop (v2sf)  }
0x51: {  	s0 =	sand.u32 $0x1FFFFFF0, s0;
	s1 =	spop (v2sf)  }
0x52: {  	s4 =	sadd.s32 $0x600, s20;
	s0 =	sadd.s32 s3, s0;
	s5 =	spop (v2sf);
	(v2sf) =	vpush v0, $0x7  }
0x53: {  	[tilespmem:s4], [sflag:$0x2] =	stream.linear.gather [hbm4b:s0+s2], $0x80, $0x38;
	[tilespmem:$0x18600] =	vst v63  }
0x54: {  	s1 =	sand.u32 $0x1FFFFFF0, s1;
	s4 =	sadd.s32 $0x680, s20  }
0x55: {  	s1 =	sadd.s32 s3, s1;
	s6 =	sand.u32 $0x1FFFFFF0, s5;
	s8 =	spop (v2sf)  }
0x56: {  	[tilespmem:s4], [sflag:$0x3] =	stream.linear.gather [hbm4b:s1+s2], $0x80, $0x38;
	[tilespmem:$0x18600] =	vst v63  }
0x57: {  	s7 =	sadd.s32 $0x700, s20;
	s0 =	sadd.s32 s3, s6;
	s9 =	spop (v2sf);
	(v2sf) =	vpush v0, $0x8  }
0x58: {  	[tilespmem:s7], [sflag:$0x4] =	stream.linear.gather [hbm4b:s0+s2], $0x80, $0x38;
	[tilespmem:$0x18600] =	vst v63  }
0x59: {  	s0 =	sand.u32 $0x1FFFFFF0, s9;
	s23 =	spop (v2sf);
	(v2sf) =	vpush v0, $0x9  }
0x5a: {  	s17 =	sadd.s32 $0x780, s20;
	s21 =	sand.u32 $0x1FFFFFF0, s8;
	s0 =	sadd.s32 s3, s0  }
0x5b: {  	[tilespmem:s17], [sflag:$0x5] =	stream.linear.gather [hbm4b:s0+s2], $0x80, $0x38;
	[tilespmem:$0x18600] =	vst v63  }
0x5c: {  	s22 =	sadd.s32 $0x800, s20;
	s0 =	sadd.s32 s3, s21;
	s25 =	spop (v2sf);
	(v2sf) =	vpush v0, $0xA  }
0x5d: {  	[tilespmem:s22], [sflag:$0x6] =	stream.linear.gather [hbm4b:s0+s2], $0x80, $0x38;
	[tilespmem:$0x18600] =	vst v63  }
0x5e: {  	s0 =	sand.u32 $0x1FFFFFF0, s23  }
0x5f: {  	s24 =	sadd.s32 $0x880, s20;
	s0 =	sadd.s32 s3, s0  }
0x60: {  	[tilespmem:s24], [sflag:$0x7] =	stream.linear.gather [hbm4b:s0+s2], $0x80, $0x38;
	[tilespmem:$0x18600] =	vst v63  }
0x61: {  	s28 =	spop (v2sf);
	(v2sf) =	vpush v0, $0xB  }
0x62: {  	s0 =	sand.u32 $0x1FFFFFF0, s25  }
0x63: {  	s26 =	sadd.s32 $0x900, s20;
	s0 =	sadd.s32 s3, s0  }
0x64: {  	[tilespmem:s26], [sflag:$0x8] =	stream.linear.gather [hbm4b:s0+s2], $0x80, $0x38;
	[tilespmem:$0x18600] =	vst v63  }
0x65: {  	s0 =	sand.u32 $0x1FFFFFF0, s28  }
0x66: {  	s29 =	sadd.s32 $0x980, s20;
	s0 =	sadd.s32 s3, s0;
	s30 =	spop (v2sf);
	(v2sf) =	vpush v0, $0xC  }
0x67: {  	[tilespmem:s29], [sflag:$0x9] =	stream.linear.gather [hbm4b:s0+s2], $0x80, $0x38;
	[tilespmem:$0x18600] =	vst v63  }
0x68: {  	s0 =	sand.u32 $0x1FFFFFF0, s30;
	s1 =	spop (v2sf);
	(v2sf) =	vpush v0, $0xD  }
0x69: {  	s31 =	sadd.s32 $0xA00, s20;
	s0 =	sadd.s32 s3, s0  }
0x6a: {  	[tilespmem:s31], [sflag:$0x2] =	stream.linear.gather [hbm4b:s0+s2], $0x80, $0x38;
	[tilespmem:$0x18600] =	vst v63  }
0x6b: {  	s5 =	spop (v2sf);
	(v2sf) =	vpush v0, $0xE  }
0x6c: {  	s0 =	sand.u32 $0x1FFFFFF0, s1  }
0x6d: {  	s4 =	sadd.s32 $0xA80, s20;
	s0 =	sadd.s32 s3, s0  }
0x6e: {  	[tilespmem:s4], [sflag:$0x3] =	stream.linear.gather [hbm4b:s0+s2], $0x80, $0x38;
	[tilespmem:$0x18600] =	vst v63  }
0x6f: {  	s0 =	sand.u32 $0x1FFFFFF0, s5  }
0x70: {  	s6 =	sadd.s32 $0xB00, s20;
	s0 =	sadd.s32 s3, s0;
	s7 =	spop (v2sf);
	(v2sf) =	vpush v0, $0xF  }
0x71: {  	[tilespmem:s6], [sflag:$0x4] =	stream.linear.gather [hbm4b:s0+s2], $0x80, $0x38;
	[tilespmem:$0x18600] =	vst v63  }
0x72: {  	s0 =	sand.u32 $0x1FFFFFF0, s7  }
0x73: {  	s8 =	sadd.s32 $0xB80, s20;
	s0 =	sadd.s32 s3, s0  }
0x74: {  	[tilespmem:s8], [sflag:$0x5] =	stream.linear.gather [hbm4b:s0+s2], $0x80, $0x38;
	[tilespmem:$0x18600] =	vst v63  }
0x75: {  	s9 =	spop (v2sf)  }
0x76: {  	s0 =	sand.u32 $0x1FFFFFF0, s9  }
0x77: {  	s17 =	sadd.s32 $0xC00, s20;
	s21 =	spop (v2sf);
	s0 =	sadd.s32 s3, s0  }
0x78: {  	[tilespmem:s17], [sflag:$0x6] =	stream.linear.gather [hbm4b:s0+s2], $0x80, $0x38;
	[tilespmem:$0x18600] =	vst v63  }
0x79: {  	s0 =	sand.u32 $0x1FFFFFF0, s21  }
0x7a: {  	s22 =	sadd.s32 $0xC80, s20;
	s23 =	spop (v2sf);
	s0 =	sadd.s32 s3, s0  }
0x7b: {  	[tilespmem:s22], [sflag:$0x7] =	stream.linear.gather [hbm4b:s0+s2], $0x80, $0x38;
	[tilespmem:$0x18600] =	vst v63  }
0x7c: {  	s0 =	sand.u32 $0x1FFFFFF0, s23  }
0x7d: {  	s24 =	sadd.s32 $0xD00, s20;
	s0 =	sadd.s32 s3, s0  }
0x7e: {  	[tilespmem:s24], [sflag:$0x8] =	stream.linear.gather [hbm4b:s0+s2], $0x80, $0x38;
	[tilespmem:$0x18600] =	vst v63  }
0x7f: {  	s25 =	spop (v2sf)  }
0x80: {  	s0 =	sand.u32 $0x1FFFFFF0, s25  }
0x81: {  	s26 =	sadd.s32 $0xD80, s20;
	s28 =	simm.s32 $0x2;
	s0 =	sadd.s32 s3, s0  }
0x82: {  	[tilespmem:s26], [sflag:$0x9] =	stream.linear.gather [hbm4b:s0+s2], $0x80, $0x38;
	[tilespmem:$0x18600] =	vst v63  }
0x83: {  	_ =	swait.ge [sflag:s28], $0x3000  }
0x84: {  	[sflag:s28] =	ssyncset.done $0x0  }
0x85: {  	[sflag:s28] =	ssyncadd.s32 $0xFFFFD000  }
0x86: {  	_ =	swait.ge [sflag:s10], $0x3000  }
0x87: {  	[sflag:s10] =	ssyncset.done $0x0  }
0x88: {  	[sflag:s10] =	ssyncadd.s32 $0xFFFFD000  }
0x89: {  	_ =	swait.ge [sflag:s11], $0x3000  }
0x8a: {  	[sflag:s11] =	ssyncset.done $0x0  }
0x8b: {  	[sflag:s11] =	ssyncadd.s32 $0xFFFFD000  }
0x8c: {  	_ =	swait.ge [sflag:s12], $0x3000  }
0x8d: {  	[sflag:s12] =	ssyncset.done $0x0  }
0x8e: {  	[sflag:s12] =	ssyncadd.s32 $0xFFFFD000  }
0x8f: {  	_ =	swait.ge [sflag:s13], $0x3000  }
0x90: {  	[sflag:s13] =	ssyncset.done $0x0  }
0x91: {  	[sflag:s13] =	ssyncadd.s32 $0xFFFFD000  }
0x92: {  	_ =	swait.ge [sflag:s14], $0x3000  }
0x93: {  	[sflag:s14] =	ssyncset.done $0x0  }
0x94: {  	[sflag:s14] =	ssyncadd.s32 $0xFFFFD000  }
0x95: {  	_ =	swait.ge [sflag:s15], $0x3000  }
0x96: {  	[sflag:s15] =	ssyncset.done $0x0  }
0x97: {  	[sflag:s15] =	ssyncadd.s32 $0xFFFFD000  }
0x98: {  	_ =	swait.ge [sflag:s16], $0x3000  }
0x99: {  	s20 =	simm.s32 $0x0;
	[sflag:s16] =	ssyncset.done $0x0  }
0x9a: {  	s30 =	simm.s32 $0x600;
	s29 =	rddreg [dreg:$0x3];
	[sflag:s16] =	ssyncadd.s32 $0xFFFFD000  }
0x9b: {  	[hbm4b:s29+s20] =	stream.linear.scatter [tilespmem:s30], [sflag:$0xA], $0x18000, $0x38;
	[tilespmem:$0x18600] =	vst v63  }
0x9c: {  	_ =	swait.ge [sflag:s18], $0x18000  }
0x9d: {  	[sflag:s18] =	ssyncset.done $0x0  }
0x9e: {  	s31 =	sand.u32 $0x3F0, s20;
	[sflag:s18] =	ssyncadd.s32 $0xFFFE8000  }
0x9f: {  	v0 =	vld [tilespmem:s31+$0x300];
	_ =	sdelay $0x4  }
0xa0: {  	v0 =	vshll.u32 v0, $0x4  }
0xa1: {  	(v2sf) =	vpush v0, $0x0  }
0xa2: {  	(v2sf) =	vpush v0, $0x2  }
0xa3: {  	(v2sf) =	vpush v0, $0x1;
	_ =	sdelay $0x1  }
0xa4: {  	(v2sf) =	vpush v0, $0x3  }
0xa5: {  	(v2sf) =	vpush v0, $0x4;
	_ =	sdelay $0x2  }
0xa6: {  	s21 =	simm.s32 $0x2000;
	s22 =	simm.s32 $0x10  }
.LBB2_4:
0xa7: {  	p0 =	sne.s32 s21, $0x5E000;
	(v2sf) =	vpush v0, $0x5;
	s0 =	smov.u32 s21;
	s21 =	sadd.s32 $0x2000, s21  }
0xa8: {  	s23 =	sshra.s32 s20, $0x2;
	s20 =	smov.u32 s0  }
0xa9: {  	s0 =	sadd.s32 $0x680, s23;
	(v2sf) =	vpush v0, $0x6  }
0xaa: {  	s1 =	sadd.s32 $0x600, s23  }
0xab: {  	s26 =	sadd.s32 $0xB80, s23;
	s25 =	sadd.s32 $0xC00, s23;
	s24 =	sadd.s32 $0xC80, s23;
	(v2sf) =	vpush v0, $0x7  }
0xac: {  	s30 =	sadd.s32 $0xA00, s23;
	s29 =	sadd.s32 $0xA80, s23;
	s28 =	sadd.s32 $0xB00, s23  }
0xad: {  	s4 =	sadd.s32 $0x900, s23;
	s31 =	sadd.s32 $0x980, s23;
	s5 =	spop (v2sf);
	(v2sf) =	vpush v0, $0x8  }
0xae: {  	s6 =	sadd.s32 $0x700, s23;
	s5 =	sand.u32 $0x1FFFFFF0, s5;
	s7 =	spop (v2sf)  }
0xaf: {  	s8 =	sadd.s32 $0x880, s23;
	s5 =	sadd.s32 s3, s5;
	s9 =	spop (v2sf);
	(v2sf) =	vpush v0, $0x9  }
0xb0: {  	[tilespmem:s1], [sflag:$0x2] =	stream.linear.gather [hbm4b:s5+s2], $0x80, $0x38;
	[tilespmem:$0x18600] =	vst v63  }
0xb1: {  	s1 =	sand.u32 $0x1FFFFFF0, s9;
	s5 =	sand.u32 $0x1FFFFFF0, s7;
	s7 =	spop (v2sf);
	(v2sf) =	vpush v0, $0xA  }
0xb2: {  	s9 =	sadd.s32 $0x800, s23;
	s1 =	sadd.s32 s3, s1;
	s17 =	spop (v2sf)  }
0xb3: {  	[tilespmem:s0], [sflag:$0x3] =	stream.linear.gather [hbm4b:s1+s2], $0x80, $0x38;
	(v2sf) =	vpush v0, $0xB;
	[tilespmem:$0x18600] =	vst v63  }
0xb4: {  	s0 =	sadd.s32 s3, s5;
	s1 =	sand.u32 $0x1FFFFFF0, s7;
	s5 =	sand.u32 $0x1FFFFFF0, s17  }
0xb5: {  	[tilespmem:s6], [sflag:$0x4] =	stream.linear.gather [hbm4b:s0+s2], $0x80, $0x38;
	(v2sf) =	vpush v0, $0xC;
	[tilespmem:$0x18600] =	vst v63  }
0xb6: {  	s1 =	sadd.s32 s3, s1;
	s0 =	sadd.s32 $0x780, s23;
	s6 =	spop (v2sf)  }
0xb7: {  	[tilespmem:s0], [sflag:$0x5] =	stream.linear.gather [hbm4b:s1+s2], $0x80, $0x38;
	(v2sf) =	vpush v0, $0xD;
	[tilespmem:$0x18600] =	vst v63  }
0xb8: {  	s0 =	sadd.s32 s3, s5;
	s1 =	sand.u32 $0x1FFFFFF0, s6;
	s5 =	spop (v2sf)  }
0xb9: {  	[tilespmem:s9], [sflag:$0x6] =	stream.linear.gather [hbm4b:s0+s2], $0x80, $0x38;
	(v2sf) =	vpush v0, $0xE;
	[tilespmem:$0x18600] =	vst v63  }
0xba: {  	s0 =	sadd.s32 s3, s1;
	s1 =	sand.u32 $0x1FFFFFF0, s5;
	s5 =	spop (v2sf)  }
0xbb: {  	[tilespmem:s8], [sflag:$0x7] =	stream.linear.gather [hbm4b:s0+s2], $0x80, $0x38;
	(v2sf) =	vpush v0, $0xF;
	[tilespmem:$0x18600] =	vst v63  }
0xbc: {  	s0 =	sadd.s32 s3, s1;
	s1 =	sand.u32 $0x1FFFFFF0, s5;
	s5 =	spop (v2sf)  }
0xbd: {  	[tilespmem:s4], [sflag:$0x8] =	stream.linear.gather [hbm4b:s0+s2], $0x80, $0x38;
	[tilespmem:$0x18600] =	vst v63  }
0xbe: {  	s0 =	sadd.s32 s3, s1;
	s1 =	sand.u32 $0x1FFFFFF0, s5;
	s4 =	spop (v2sf)  }
0xbf: {  	[tilespmem:s31], [sflag:$0x9] =	stream.linear.gather [hbm4b:s0+s2], $0x80, $0x38;
	[tilespmem:$0x18600] =	vst v63  }
0xc0: {  	s0 =	sadd.s32 s3, s1;
	s1 =	sand.u32 $0x1FFFFFF0, s4;
	s4 =	spop (v2sf)  }
0xc1: {  	[tilespmem:s30], [sflag:$0x2] =	stream.linear.gather [hbm4b:s0+s2], $0x80, $0x38;
	[tilespmem:$0x18600] =	vst v63  }
0xc2: {  	s0 =	sadd.s32 s3, s1;
	s1 =	sand.u32 $0x1FFFFFF0, s4;
	s4 =	spop (v2sf)  }
0xc3: {  	[tilespmem:s29], [sflag:$0x3] =	stream.linear.gather [hbm4b:s0+s2], $0x80, $0x38;
	[tilespmem:$0x18600] =	vst v63  }
0xc4: {  	s0 =	sadd.s32 s3, s1;
	s1 =	sand.u32 $0x1FFFFFF0, s4;
	s4 =	spop (v2sf)  }
0xc5: {  	[tilespmem:s28], [sflag:$0x4] =	stream.linear.gather [hbm4b:s0+s2], $0x80, $0x38;
	[tilespmem:$0x18600] =	vst v63  }
0xc6: {  	s0 =	sadd.s32 s3, s1;
	s1 =	sand.u32 $0x1FFFFFF0, s4;
	s4 =	spop (v2sf)  }
0xc7: {  	[tilespmem:s26], [sflag:$0x5] =	stream.linear.gather [hbm4b:s0+s2], $0x80, $0x38;
	[tilespmem:$0x18600] =	vst v63  }
0xc8: {  	s0 =	sadd.s32 s3, s1;
	s1 =	sand.u32 $0x1FFFFFF0, s4;
	s4 =	spop (v2sf)  }
0xc9: {  	[tilespmem:s25], [sflag:$0x6] =	stream.linear.gather [hbm4b:s0+s2], $0x80, $0x38;
	[tilespmem:$0x18600] =	vst v63  }
0xca: {  	s0 =	sadd.s32 s3, s1;
	s1 =	sand.u32 $0x1FFFFFF0, s4;
	s4 =	spop (v2sf)  }
0xcb: {  	[tilespmem:s24], [sflag:$0x7] =	stream.linear.gather [hbm4b:s0+s2], $0x80, $0x38;
	[tilespmem:$0x18600] =	vst v63  }
0xcc: {  	s1 =	sadd.s32 s3, s1;
	s0 =	sadd.s32 $0xD00, s23;
	s4 =	sand.u32 $0x1FFFFFF0, s4  }
0xcd: {  	[tilespmem:s0], [sflag:$0x8] =	stream.linear.gather [hbm4b:s1+s2], $0x80, $0x38;
	[tilespmem:$0x18600] =	vst v63  }
0xce: {  	s4 =	sadd.s32 s3, s4;
	s0 =	sand.u32 $0x3F0, s22;
	s1 =	sadd.s32 $0xD80, s23  }
0xcf: {  	[tilespmem:s1], [sflag:$0x9] =	stream.linear.gather [hbm4b:s4+s2], $0x80, $0x38;
	[tilespmem:$0x18600] =	vst v63  }
0xd0: {  	v0 =	vld [tilespmem:s0+$0x300];
	_ =	sdelay $0x4  }
0xd1: {  	v0 =	vshll.u32 v0, $0x4  }
0xd2: {  	(v2sf) =	vpush v0, $0x0  }
0xd3: {  	(v2sf) =	vpush v0, $0x2  }
0xd4: {  	(v2sf) =	vpush v0, $0x1;
	_ =	sdelay $0x1  }
.Ltmp1:
0xd5: {  	(v2sf) =	vpush v0, $0x3;
	(pc) =	sbr.rel @p0 .LBB2_4-.Ltmp1, $2  }
0xd6: {  	(v2sf) =	vpush v0, $0x4;
	_ =	sdelay $0x2  }
0xd7: {  	s22 =	sadd.s32 $0x10, s22  }
0xd8: {  	_ =	sdelay $0x5  }
0xd9: {  	s0 =	spop (v2sf)  }
0xda: {  	s4 =	spop (v2sf);
	(v2sf) =	vpush v0, $0x5;
	_ =	sdelay $0x1  }
0xdb: {  	s5 =	spop (v2sf);
	(v2sf) =	vpush v0, $0x6;
	_ =	sdelay $0x2  }
0xdc: {  	s9 =	spop (v2sf);
	(v2sf) =	vpush v0, $0x7  }
0xdd: {  	s20 =	sshra.s32 s20, $0x2;
	s0 =	sand.u32 $0x1FFFFFF0, s0  }
0xde: {  	s1 =	sadd.s32 $0x600, s20;
	s0 =	sadd.s32 s3, s0  }
0xdf: {  	[tilespmem:s1], [sflag:$0x2] =	stream.linear.gather [hbm4b:s0+s2], $0x80, $0x38;
	[tilespmem:$0x18600] =	vst v63  }
0xe0: {  	s0 =	sand.u32 $0x1FFFFFF0, s5;
	s21 =	spop (v2sf);
	(v2sf) =	vpush v0, $0x8  }
0xe1: {  	s6 =	sadd.s32 $0x680, s20;
	s7 =	sand.u32 $0x1FFFFFF0, s4;
	s0 =	sadd.s32 s3, s0  }
0xe2: {  	[tilespmem:s6], [sflag:$0x3] =	stream.linear.gather [hbm4b:s0+s2], $0x80, $0x38;
	[tilespmem:$0x18600] =	vst v63  }
0xe3: {  	s8 =	sadd.s32 $0x700, s20;
	s0 =	sadd.s32 s3, s7  }
0xe4: {  	[tilespmem:s8], [sflag:$0x4] =	stream.linear.gather [hbm4b:s0+s2], $0x80, $0x38;
	[tilespmem:$0x18600] =	vst v63  }
0xe5: {  	s0 =	sand.u32 $0x1FFFFFF0, s9  }
0xe6: {  	s17 =	sadd.s32 $0x780, s20;
	s0 =	sadd.s32 s3, s0;
	s23 =	spop (v2sf);
	(v2sf) =	vpush v0, $0x9  }
0xe7: {  	[tilespmem:s17], [sflag:$0x5] =	stream.linear.gather [hbm4b:s0+s2], $0x80, $0x38;
	[tilespmem:$0x18600] =	vst v63  }
0xe8: {  	s0 =	sand.u32 $0x1FFFFFF0, s21;
	s25 =	spop (v2sf);
	(v2sf) =	vpush v0, $0xA  }
0xe9: {  	s22 =	sadd.s32 $0x800, s20;
	s0 =	sadd.s32 s3, s0  }
0xea: {  	[tilespmem:s22], [sflag:$0x6] =	stream.linear.gather [hbm4b:s0+s2], $0x80, $0x38;
	[tilespmem:$0x18600] =	vst v63  }
0xeb: {  	s0 =	sand.u32 $0x1FFFFFF0, s23;
	s28 =	spop (v2sf);
	(v2sf) =	vpush v0, $0xB  }
0xec: {  	s24 =	sadd.s32 $0x880, s20;
	s0 =	sadd.s32 s3, s0  }
0xed: {  	[tilespmem:s24], [sflag:$0x7] =	stream.linear.gather [hbm4b:s0+s2], $0x80, $0x38;
	[tilespmem:$0x18600] =	vst v63  }
0xee: {  	s0 =	sand.u32 $0x1FFFFFF0, s25  }
0xef: {  	s26 =	sadd.s32 $0x900, s20;
	s0 =	sadd.s32 s3, s0;
	s30 =	spop (v2sf)  }
0xf0: {  	(v2sf) =	vpush v0, $0xC;
	[tilespmem:s26], [sflag:$0x8] =	stream.linear.gather [hbm4b:s0+s2], $0x80, $0x38;
	[tilespmem:$0x18600] =	vst v63  }
0xf1: {  	s0 =	sand.u32 $0x1FFFFFF0, s28  }
0xf2: {  	s29 =	sadd.s32 $0x980, s20;
	s0 =	sadd.s32 s3, s0  }
0xf3: {  	[tilespmem:s29], [sflag:$0x9] =	stream.linear.gather [hbm4b:s0+s2], $0x80, $0x38;
	[tilespmem:$0x18600] =	vst v63  }
0xf4: {  	s0 =	sand.u32 $0x1FFFFFF0, s30  }
0xf5: {  	s31 =	sadd.s32 $0xA00, s20;
	s0 =	sadd.s32 s3, s0;
	s1 =	spop (v2sf);
	(v2sf) =	vpush v0, $0xD  }
0xf6: {  	[tilespmem:s31], [sflag:$0x2] =	stream.linear.gather [hbm4b:s0+s2], $0x80, $0x38;
	[tilespmem:$0x18600] =	vst v63  }
0xf7: {  	s0 =	sand.u32 $0x1FFFFFF0, s1;
	s5 =	spop (v2sf);
	(v2sf) =	vpush v0, $0xE  }
0xf8: {  	s4 =	sadd.s32 $0xA80, s20;
	s0 =	sadd.s32 s3, s0  }
0xf9: {  	[tilespmem:s4], [sflag:$0x3] =	stream.linear.gather [hbm4b:s0+s2], $0x80, $0x38;
	[tilespmem:$0x18600] =	vst v63  }
0xfa: {  	s7 =	spop (v2sf);
	(v2sf) =	vpush v0, $0xF  }
0xfb: {  	s0 =	sand.u32 $0x1FFFFFF0, s5  }
0xfc: {  	s6 =	sadd.s32 $0xB00, s20;
	s0 =	sadd.s32 s3, s0  }
0xfd: {  	[tilespmem:s6], [sflag:$0x4] =	stream.linear.gather [hbm4b:s0+s2], $0x80, $0x38;
	[tilespmem:$0x18600] =	vst v63  }
0xfe: {  	s0 =	sand.u32 $0x1FFFFFF0, s7  }
0xff: {  	s8 =	sadd.s32 $0xB80, s20;
	s9 =	spop (v2sf);
	s0 =	sadd.s32 s3, s0  }
0x100: {  	[tilespmem:s8], [sflag:$0x5] =	stream.linear.gather [hbm4b:s0+s2], $0x80, $0x38;
	[tilespmem:$0x18600] =	vst v63  }
0x101: {  	s0 =	sand.u32 $0x1FFFFFF0, s9  }
0x102: {  	s17 =	sadd.s32 $0xC00, s20;
	s0 =	sadd.s32 s3, s0  }
0x103: {  	[tilespmem:s17], [sflag:$0x6] =	stream.linear.gather [hbm4b:s0+s2], $0x80, $0x38;
	[tilespmem:$0x18600] =	vst v63  }
0x104: {  	s21 =	spop (v2sf)  }
0x105: {  	s0 =	sand.u32 $0x1FFFFFF0, s21  }
0x106: {  	s22 =	sadd.s32 $0xC80, s20;
	s23 =	spop (v2sf);
	s0 =	sadd.s32 s3, s0  }
0x107: {  	[tilespmem:s22], [sflag:$0x7] =	stream.linear.gather [hbm4b:s0+s2], $0x80, $0x38;
	[tilespmem:$0x18600] =	vst v63  }
0x108: {  	s0 =	sand.u32 $0x1FFFFFF0, s23  }
0x109: {  	s24 =	sadd.s32 $0xD00, s20;
	s25 =	spop (v2sf);
	s0 =	sadd.s32 s3, s0  }
0x10a: {  	[tilespmem:s24], [sflag:$0x8] =	stream.linear.gather [hbm4b:s0+s2], $0x80, $0x38;
	[tilespmem:$0x18600] =	vst v63  }
0x10b: {  	s0 =	sand.u32 $0x1FFFFFF0, s25  }
0x10c: {  	s26 =	sadd.s32 $0xD80, s20;
	s28 =	simm.s32 $0x2;
	s0 =	sadd.s32 s3, s0  }
0x10d: {  	[tilespmem:s26], [sflag:$0x9] =	stream.linear.gather [hbm4b:s0+s2], $0x80, $0x38;
	[tilespmem:$0x18600] =	vst v63  }
0x10e: {  	_ =	swait.ge [sflag:s28], $0x3000  }
0x10f: {  	[sflag:s28] =	ssyncset.done $0x0  }
0x110: {  	[sflag:s28] =	ssyncadd.s32 $0xFFFFD000  }
0x111: {  	_ =	swait.ge [sflag:s10], $0x3000  }
0x112: {  	[sflag:s10] =	ssyncset.done $0x0  }
0x113: {  	[sflag:s10] =	ssyncadd.s32 $0xFFFFD000  }
0x114: {  	_ =	swait.ge [sflag:s11], $0x3000  }
0x115: {  	[sflag:s11] =	ssyncset.done $0x0  }
0x116: {  	[sflag:s11] =	ssyncadd.s32 $0xFFFFD000  }
0x117: {  	_ =	swait.ge [sflag:s12], $0x3000  }
0x118: {  	[sflag:s12] =	ssyncset.done $0x0  }
0x119: {  	[sflag:s12] =	ssyncadd.s32 $0xFFFFD000  }
0x11a: {  	_ =	swait.ge [sflag:s13], $0x3000  }
0x11b: {  	[sflag:s13] =	ssyncset.done $0x0  }
0x11c: {  	[sflag:s13] =	ssyncadd.s32 $0xFFFFD000  }
0x11d: {  	_ =	swait.ge [sflag:s14], $0x3000  }
0x11e: {  	[sflag:s14] =	ssyncset.done $0x0  }
0x11f: {  	[sflag:s14] =	ssyncadd.s32 $0xFFFFD000  }
0x120: {  	_ =	swait.ge [sflag:s15], $0x3000  }
0x121: {  	[sflag:s15] =	ssyncset.done $0x0  }
0x122: {  	[sflag:s15] =	ssyncadd.s32 $0xFFFFD000  }
0x123: {  	_ =	swait.ge [sflag:s16], $0x3000  }
0x124: {  	[sflag:s16] =	ssyncset.done $0x0  }
0x125: {  	s30 =	simm.s32 $0x600;
	s29 =	rddreg [dreg:$0x4];
	[sflag:s16] =	ssyncadd.s32 $0xFFFFD000  }
0x126: {  	[hbm4b:s29+s2] =	stream.linear.scatter [tilespmem:s30], [sflag:$0xA], $0x18000, $0x38;
	[tilespmem:$0x18600] =	vst v63  }
0x127: {  	_ =	swait.ge [sflag:s18], $0x18000  }
0x128: {  	s19 =	sadd.s32 $0x1, s19;
	s31 =	rddreg [dreg:$0x5]  }
0x129: {  	p0 =	sne.s32 s19, s31  }
.Ltmp2:
0x12a: {  	_ = 	snop;
	(pc) =	sbr.rel @p0 .LBB2_1-.Ltmp2, $3  }
0x12b: {  	_ =	sdelay $0x1  }
0x12c: {  	[sflag:s18] =	ssyncset.done $0x0  }
0x12d: {  	[sflag:s18] =	ssyncadd.s32 $0xFFFE8000  }
0x12e: {  	_ =	sfence.sel $0x180000  }
0x12f: {  	[bflag:$0x0] =	sbarrier.arrive $0xFFFF  }
0x130: {  	_ =	strace $0x90000047  }
0x131: {  	s0 =	stileid.u32;
	[bflag:$0x2] =	sbarrier.arrive $0xFFFF  }
0x132: {  	p0 =	sne.s32 s0, $0x0;
	s0 =	rddreg [dreg:$0x1]  }
0x133: {  	s0 =	sadd.s32 @!p0 $0x100000, s0  }
0x134: {  	[sflag:s0] =	ssyncadd.tile.s32 @!p0 $0x1;
	_ =	shalt  }
.Lfunc_end2:
_tile_overlayer_lowered:
.L_overlay_start_2:
0x135: {  	(tag) =	ssettag $0x2  }
0x136: {  	s0 =	rddreg [dreg:$0x0];
	s2 =	stileid.u32  }
0x137: {  	s1 =	rddreg [dreg:$0x1];
	p0 =	sne.s32 s2, $0x0  }
0x138: {  	s3 =	rddreg [dreg:$0x2];
	[bflag:$0x3] =	sbarrier.arrive $0xFFFF;
	s2 =	simm.s32 @!p0 $0x1C0A  }
0x139: {  	[timem:s3], [sflag:s2] =	dma.local @!p0 [hbm:s0], s1  }
0x13a: {  	s0 =	simm.s32 @!p0 $0xA  }
0x13b: {  	_ =	swait.ge @!p0 [sflag:s0], s1  }
0x13c: {  	s1 =	ssub.s32 @!p0 $0x0, s1;
	[sflag:s0] =	ssyncset.done @!p0 $0x0  }
0x13d: {  	[sflag:s0] =	ssyncadd.s32 @!p0 s1  }
0x13e: {  	[bflag:$0x3] =	sbarrier.arrive $0xFFFF  }
0x13f: {  	_ =	shalt  }

</sc_bundles>
